<compile_context>
chip_gen: v7x
topology: tpu7x:2x2x1
jax: 0.10.2.dev20260603
libtpu: 0.0.44.dev20260713+nightly
codegen_flags: <defaults>
</compile_context>

<pallas_src>
import functools

import jax
import jax.numpy as jnp
from jax import lax
from jax.experimental import pallas as pl
from jax.experimental.pallas import tpu as pltpu
from jax.experimental.pallas import tpu_sc as plsc

NC, NS, L = 2, 16, 16
NW = NC * NS

DST = (0, 1, 2, 3, 4, 5, 6, 6, 6, 7, 8, 8, 9, 9, 10,
       11, 11, 11, 12, 12, 12, 13, 13, 13, 14, 14, 15, 15)
T = len(DST)
S = 16
PT = 128
BT = 10
BP = BT * PT


def _body(n, xf_hbm, clm_hbm, ns_hbm, out_hbm,
          in_v0, in_v1, o0_v0, o1_v0, o0_v1, o1_v1,
          clm_v, ns_v, si0, si1, so0, so1):
  cid = lax.axis_index("c")
  sid = lax.axis_index("s")
  wid = sid * NC + cid

  ntile = n // PT
  nblk = ntile // BT
  half = ntile * (8 * PT)
  INW = BT * 384
  OUTW = 8 * BP

  nmine = (nblk - wid + NW - 1) // NW

  @pl.when(nmine > 0)
  def _prologue():
    pltpu.async_copy(xf_hbm.at[pl.ds(wid * (BT * 384), BT * 384)],
                     in_v0, si0)

  pltpu.sync_copy(clm_hbm, clm_v)
  pltpu.sync_copy(ns_hbm, ns_v)
  clm_vecs = [clm_v[pl.ds(i * L, L)] for i in range((T + L - 1) // L)]
  ns_vec = ns_v[pl.ds(0, L)]
  w = [clm_vecs[t // L][t % L] * ns_vec[DST[t]] for t in range(T)]
  w0v = jnp.full((L,), w[0], jnp.float32)
  w7v = jnp.full((L,), w[7], jnp.float32)
  bufs = ((in_v0, o0_v0, o1_v0, si0, so0),
          (in_v1, o0_v1, o1_v1, si1, so1))

  def compute_block(in_v, o0_v, o1_v):
    def grp(g, c):
      pi = ((g >> 3) * 384) + ((g & 7) << 4)
      x = in_v[pl.ds(pi, L)]
      y = in_v[pl.ds(pi + PT, L)]
      z = in_v[pl.ds(pi + 2 * PT, L)]

      x2 = x * x
      y2 = y * y
      z2 = z * z
      xy = x * y
      xz = x * z
      xyz = xy * z
      u = y2 / x2
      x2y = x * xy
      x2y2 = xy * xy
      x3y = x2 * xy
      x3y3 = xy * x2y2
      x2yz = x2y * z
      xyz2 = xyz * z
      z3 = z2 * z
      xz2 = xz * z
      x2z = x2 * z
      x2y2z = x2y2 * z
      x3 = x * x2
      x3y2 = x * x2y2
      uz = u * z
      uxy = u * xy
      ux = u * x

      o = [None] * S
      o[0] = w0v
      o[1] = w[1] * xy
      o[2] = w[2] * z
      o[3] = w[3] * x
      o[4] = w[4] * x2y
      o[5] = w[5] * xyz
      o[6] = w[6] * z2 + w[8] * u + w7v
      o[7] = w[9] * xz
      o[8] = w[10] * x2 + w[11] * x2y2
      o[9] = w[12] * x3y + w[13] * x3y3
      o[10] = w[14] * x2yz
      o[11] = w[15] * xyz2 + w[16] * xy + w[17] * uxy
      o[12] = w[18] * z3 + w[19] * z + w[20] * uz
      o[13] = w[21] * xz2 + w[22] * x + w[23] * ux
      o[14] = w[24] * x2z + w[25] * x2y2z
      o[15] = w[26] * x3 + w[27] * x3y2

      base = ((g >> 3) << 10) + ((g & 7) << 4)
      for s in range(8):
        o0_v[pl.ds(base + s * PT, L)] = o[s]
        o1_v[pl.ds(base + s * PT, L)] = o[s + 8]
      return c

    lax.fori_loop(0, BT * (PT // L), grp, 0)

  def do_block(i, cur, nxt):
    in_v, o0_v, o1_v, si, so = cur
    in_nx, _, _, si_nx, _ = nxt
    blk = wid + i * NW
    pltpu.make_async_copy(xf_hbm.at[pl.ds(0, INW)], in_v, si).wait()

    @pl.when(i + 1 < nmine)
    def _prefetch():
      pltpu.async_copy(
          xf_hbm.at[pl.ds((wid + (i + 1) * NW) * INW, INW)], in_nx, si_nx)

    @pl.when(i >= 2)
    def _drain():
      pltpu.make_async_copy(o0_v, out_hbm.at[pl.ds(0, OUTW)], so).wait()
      pltpu.make_async_copy(o1_v, out_hbm.at[pl.ds(0, OUTW)], so).wait()

    compute_block(in_v, o0_v, o1_v)
    pltpu.async_copy(o0_v, out_hbm.at[pl.ds(blk * OUTW, OUTW)], so)
    pltpu.async_copy(o1_v, out_hbm.at[pl.ds(half + blk * OUTW, OUTW)], so)

  def blk_body(i, carry):
    @pl.when((i & 1) == 0)
    def _even():
      do_block(i, bufs[0], bufs[1])

    @pl.when((i & 1) == 1)
    def _odd():
      do_block(i, bufs[1], bufs[0])
    return carry

  lax.fori_loop(0, nmine, blk_body, 0)

  for k in (1, 2):
    for p in (0, 1):
      @pl.when((nmine >= k) & ((nmine - k) % 2 == p))
      def _(p=p):
        _, o0_v, o1_v, _, so = bufs[p]
        pltpu.make_async_copy(o0_v, out_hbm.at[pl.ds(0, OUTW)], so).wait()
        pltpu.make_async_copy(o1_v, out_hbm.at[pl.ds(0, OUTW)], so).wait()


def kernel(xyz, dst_pointers, clm_tuvs, xyzpows, ns_lms):
  n = xyz.shape[0]
  assert n % (PT * BT) == 0
  ntile = n // PT

  xf = (jnp.transpose(xyz)
        .reshape(3, ntile, PT)
        .transpose(1, 0, 2)
        .reshape(3 * n))
  clm_p = jnp.concatenate(
      [clm_tuvs.astype(jnp.float32),
       jnp.zeros(((-clm_tuvs.shape[0]) % L,), jnp.float32)])

  mesh = plsc.VectorSubcoreMesh(core_axis_name="c", subcore_axis_name="s")
  run = pl.kernel(
      functools.partial(_body, n),
      out_type=jax.ShapeDtypeStruct((n * S,), jnp.float32),
      mesh=mesh,
      compiler_params=pltpu.CompilerParams(needs_layout_passes=False),
      scratch_types=[
          pltpu.VMEM((BT * 384,), jnp.float32),
          pltpu.VMEM((BT * 384,), jnp.float32),
          pltpu.VMEM((8 * BP,), jnp.float32),
          pltpu.VMEM((8 * BP,), jnp.float32),
          pltpu.VMEM((8 * BP,), jnp.float32),
          pltpu.VMEM((8 * BP,), jnp.float32),
          pltpu.VMEM((clm_p.shape[0],), jnp.float32),
          pltpu.VMEM((S,), jnp.float32),
          pltpu.SemaphoreType.DMA,
          pltpu.SemaphoreType.DMA,
          pltpu.SemaphoreType.DMA,
          pltpu.SemaphoreType.DMA,
      ],
  )
  out = run(xf, clm_p, ns_lms.astype(jnp.float32))
  return (out.reshape(2, ntile, 8, PT)
          .transpose(1, 3, 0, 2)
          .reshape(n, S))

# --- scband reference (transcript-rebuilt; emitter-appended) ---
"""Pipeline reference for scband-rshxyz-31791347925861 (READ-ONLY COPY).

The authoritative reference and input builder live on the scoring server;
editing this copy changes nothing except your own understanding.
"""

import jax, jax.numpy as jnp
import numpy as np
import math

MAX_L = 3

def _vm(m):
    return 0.5 if m < 0 else 0.0

def _ns_lm(l, m):
    am = abs(m)
    denom = 2.0 if m == 0 else 1.0
    return (1.0 / (2.0 ** am * math.factorial(l))) * math.sqrt(2.0 * math.factorial(l + am) * math.factorial(l - am) / denom)

def _c_lmtuv(l, m, t, u, v):
    am = abs(m)
    e = int(round(t + v - _vm(m)))
    sign = -1.0 if (e % 2) else 1.0
    return sign * (0.25 ** t) * math.comb(l, t) * math.comb(l - t, am + t) * math.comb(t, u) * math.comb(am, int(round(2 * v)))

def _build_coeffs(max_l):
    dst, clm, xp, yp, zp, ns = [], [], [], [], [], []
    for l in range(max_l + 1):
        for m in range(-l, l + 1):
            ns.append(_ns_lm(l, m))
            am = abs(m)
            vmm = _vm(m)
            nv = int(math.floor(am / 2.0 - vmm)) + 1
            for t in range((l - am) // 2 + 1):
                for u in range(t + 1):
                    for iv in range(nv):
                        v = vmm + iv
                        clm.append(_c_lmtuv(l, m, t, u, v))
                        dst.append(l * (l + 1) + m)
                        xp.append(2 * t + am - 2 * (u + t))
                        yp.append(int(round(2 * (u + v))))
                        zp.append(l - 2 * t - am)
    return (np.asarray(dst, np.int32), np.asarray(clm, np.float32),
            np.stack([xp, yp, zp]).astype(np.int32), np.asarray(ns, np.float32))

def setup_inputs(seed: int = 0):
    key = jax.random.key(seed)
    N = 1600000
    xyz = jax.random.normal(key, (N, 3), dtype=jnp.float32)
    dst, clm, pows, ns = _build_coeffs(MAX_L)
    return {"xyz": xyz,
            "dst_pointers": jnp.asarray(dst),
            "clm_tuvs": jnp.asarray(clm),
            "xyzpows": jnp.asarray(pows),
            "ns_lms": jnp.asarray(ns)}

def reference(xyz, dst_pointers, clm_tuvs, xyzpows, ns_lms):
    # monomials x^a * y^b * z^c for every (l,m,t,u,v) term, shape [N, T]
    pows = jnp.power(xyz[:, :, None], xyzpows[None, :, :].astype(xyz.dtype))
    mono = jnp.prod(pows, axis=1)
    weighted = mono * clm_tuvs[None, :]
    num_seg = int(ns_lms.shape[0])  # (max_l+1)^2
    # segment-reduce tuv terms into their (l,m) destination slot l*(l+1)+m
    rsh = jax.ops.segment_sum(weighted.T, dst_pointers, num_segments=num_seg, indices_are_sorted=True)
    rsh = rsh.T * ns_lms[None, :]
    return rsh

if __name__ == "__main__":
    import jax
    _d = setup_inputs()
    print(jax.jit(kernel)(*tuple(_d.values())))

</pallas_src>

<mosaic_0001>
#map = affine_map<(d0, d1) -> (0)>
module attributes {stable_mosaic.version = 14 : i64} {
  func.func @_body(%arg0: i32, %arg1: i32, %arg2: memref<4800000xf32, #tpu.memory_space<hbm>>, %arg3: memref<32xf32, #tpu.memory_space<hbm>>, %arg4: memref<16xf32, #tpu.memory_space<hbm>>, %arg5: memref<25600000xf32, #tpu.memory_space<hbm>>, %arg6: memref<3840xf32, #tpu.memory_space<vmem>>, %arg7: memref<3840xf32, #tpu.memory_space<vmem>>, %arg8: memref<10240xf32, #tpu.memory_space<vmem>>, %arg9: memref<10240xf32, #tpu.memory_space<vmem>>, %arg10: memref<10240xf32, #tpu.memory_space<vmem>>, %arg11: memref<10240xf32, #tpu.memory_space<vmem>>, %arg12: memref<32xf32, #tpu.memory_space<vmem>>, %arg13: memref<16xf32, #tpu.memory_space<vmem>>, %arg14: memref<!tpu.dma_semaphore, #tpu.memory_space<semaphore_mem>>, %arg15: memref<!tpu.dma_semaphore, #tpu.memory_space<semaphore_mem>>, %arg16: memref<!tpu.dma_semaphore, #tpu.memory_space<semaphore_mem>>, %arg17: memref<!tpu.dma_semaphore, #tpu.memory_space<semaphore_mem>>) attributes {dimension_semantics = [#tpu.dimension_semantics<core_parallel>, #tpu.dimension_semantics<subcore_parallel>], iteration_bounds = array<i64: 2, 16>, scalar_prefetch = 0 : i64, scratch_operands = 12 : i64, tpu.core_type = #tpu.core_type<sc_vector_subcore>, window_params = [{transform_indices = #map}, {transform_indices = #map}, {transform_indices = #map}, {transform_indices = #map}]} {
    %mul3A = arith.constant 2 : i32
    %mul3A_0 = arith.muli %arg1, %mul3A : i32
    %add3A = arith.addi %mul3A_0, %arg0 : i32
    %sub3A = arith.constant 1250 : i32
    %sub3A_1 = arith.subi %sub3A, %add3A : i32
    %add3A_2 = arith.constant 32 : i32
    %add3A_3 = arith.addi %sub3A_1, %add3A_2 : i32
    %sub3A_4 = arith.constant 1 : i32
    %sub3A_5 = arith.subi %add3A_3, %sub3A_4 : i32
    %jit3A = arith.constant 32 : i32
    %div3A = arith.divsi %sub3A_5, %jit3A : i32
    %sign3A = arith.constant 0 : i32
    %sign3A_6 = arith.cmpi sgt, %sub3A_5, %sign3A : i32
    %sign3A_7 = arith.extui %sign3A_6 : i1 to i32
    %sign3A_8 = arith.constant 0 : i32
    %sign3A_9 = arith.cmpi slt, %sub3A_5, %sign3A_8 : i32
    %sign3A_10 = arith.extui %sign3A_9 : i1 to i32
    %sign3A_11 = arith.subi %sign3A_7, %sign3A_10 : i32
    %sign3A_12 = arith.constant 0 : i32
    %sign3A_13 = arith.cmpi sgt, %jit3A, %sign3A_12 : i32
    %sign3A_14 = arith.extui %sign3A_13 : i1 to i32
    %sign3A_15 = arith.constant 0 : i32
    %sign3A_16 = arith.cmpi slt, %jit3A, %sign3A_15 : i32
    %sign3A_17 = arith.extui %sign3A_16 : i1 to i32
    %sign3A_18 = arith.subi %sign3A_14, %sign3A_17 : i32
    %ne3A = arith.cmpi ne, %sign3A_11, %sign3A_18 : i32
    %rem3A = arith.remsi %sub3A_5, %jit3A : i32
    %ne3A_19 = arith.constant 0 : i32
    %ne3A_20 = arith.cmpi ne, %rem3A, %ne3A_19 : i32
    %and3A = arith.andi %ne3A, %ne3A_20 : i1
    %sub3A_21 = arith.constant 1 : i32
    %sub3A_22 = arith.subi %div3A, %sub3A_21 : i32
    %select_n3A = arith.select %and3A, %sub3A_22, %div3A : i32
    %gt3A = arith.constant 0 : i32
    %gt3A_23 = arith.cmpi sgt, %select_n3A, %gt3A : i32
    %convert_element_type3A = arith.extui %gt3A_23 : i1 to i32
    %cond3A = arith.constant 0 : i32
    %cond3A_24 = arith.cmpi ne, %convert_element_type3A, %cond3A : i32
    scf.if %cond3A_24 {
      %mul3A_279 = arith.constant 3840 : i32
      %mul3A_280 = arith.muli %add3A, %mul3A_279 : i32
      %dma_start3A = tpu.memref_slice %arg2[%mul3A_280] : memref<4800000xf32, #tpu.memory_space<hbm>> -> memref<3840xf32, #tpu.memory_space<hbm>>
      %dma_start3A_281 = tpu.memref_slice %arg2[%mul3A_280] : memref<4800000xf32, #tpu.memory_space<hbm>> -> memref<3840xf32, #tpu.memory_space<hbm>>
      tpu.enqueue_dma source(%dma_start3A_281 : memref<3840xf32, #tpu.memory_space<hbm>>) target(%arg6 : memref<3840xf32, #tpu.memory_space<vmem>>) target_semaphore(%arg14 : memref<!tpu.dma_semaphore, #tpu.memory_space<semaphore_mem>>)
    } else {
    }
    "tpu.region"() ({
      %run_scoped3A = tpu.sem_alloc : memref<!tpu.dma_semaphore, #tpu.memory_space<semaphore_mem>>
      tpu.enqueue_dma source(%arg3 : memref<32xf32, #tpu.memory_space<hbm>>) target(%arg12 : memref<32xf32, #tpu.memory_space<vmem>>) target_semaphore(%run_scoped3A : memref<!tpu.dma_semaphore, #tpu.memory_space<semaphore_mem>>)
      tpu.wait_dma2 semaphore(%run_scoped3A : memref<!tpu.dma_semaphore, #tpu.memory_space<semaphore_mem>>) src(%arg3 : memref<32xf32, #tpu.memory_space<hbm>>) dst(%arg12 : memref<32xf32, #tpu.memory_space<vmem>>)
      tpu.yield
    }) : () -> ()
    "tpu.region"() ({
      %run_scoped3A = tpu.sem_alloc : memref<!tpu.dma_semaphore, #tpu.memory_space<semaphore_mem>>
      tpu.enqueue_dma source(%arg4 : memref<16xf32, #tpu.memory_space<hbm>>) target(%arg13 : memref<16xf32, #tpu.memory_space<vmem>>) target_semaphore(%run_scoped3A : memref<!tpu.dma_semaphore, #tpu.memory_space<semaphore_mem>>)
      tpu.wait_dma2 semaphore(%run_scoped3A : memref<!tpu.dma_semaphore, #tpu.memory_space<semaphore_mem>>) src(%arg4 : memref<16xf32, #tpu.memory_space<hbm>>) dst(%arg13 : memref<16xf32, #tpu.memory_space<vmem>>)
      tpu.yield
    }) : () -> ()
    %get3A = arith.constant 0 : index
    %get3A_25 = tpu.vector_load %arg12[%get3A] {strides = array<i32>} : memref<32xf32, #tpu.memory_space<vmem>>, vector<16xf32>,
    %get3A_26 = arith.constant 16 : index
    %get3A_27 = tpu.vector_load %arg12[%get3A_26] {strides = array<i32>} : memref<32xf32, #tpu.memory_space<vmem>>, vector<16xf32>,
    %get3A_28 = arith.constant 0 : index
    %get3A_29 = tpu.vector_load %arg13[%get3A_28] {strides = array<i32>} : memref<16xf32, #tpu.memory_space<vmem>>, vector<16xf32>,
    %slice3A = vector.extract_strided_slice %get3A_25 {offsets = [0], sizes = [1], strides = [1]} : vector<16xf32> to vector<1xf32>
    %squeeze3A = vector.extract %slice3A[0] : f32 from vector<1xf32>
    %slice3A_30 = vector.extract_strided_slice %get3A_29 {offsets = [0], sizes = [1], strides = [1]} : vector<16xf32> to vector<1xf32>
    %squeeze3A_31 = vector.extract %slice3A_30[0] : f32 from vector<1xf32>
    %mul3A_32 = arith.mulf %squeeze3A, %squeeze3A_31 : f32
    %slice3A_33 = vector.extract_strided_slice %get3A_25 {offsets = [1], sizes = [1], strides = [1]} : vector<16xf32> to vector<1xf32>
    %squeeze3A_34 = vector.extract %slice3A_33[0] : f32 from vector<1xf32>
    %slice3A_35 = vector.extract_strided_slice %get3A_29 {offsets = [1], sizes = [1], strides = [1]} : vector<16xf32> to vector<1xf32>
    %squeeze3A_36 = vector.extract %slice3A_35[0] : f32 from vector<1xf32>
    %mul3A_37 = arith.mulf %squeeze3A_34, %squeeze3A_36 : f32
    %slice3A_38 = vector.extract_strided_slice %get3A_25 {offsets = [2], sizes = [1], strides = [1]} : vector<16xf32> to vector<1xf32>
    %squeeze3A_39 = vector.extract %slice3A_38[0] : f32 from vector<1xf32>
    %slice3A_40 = vector.extract_strided_slice %get3A_29 {offsets = [2], sizes = [1], strides = [1]} : vector<16xf32> to vector<1xf32>
    %squeeze3A_41 = vector.extract %slice3A_40[0] : f32 from vector<1xf32>
    %mul3A_42 = arith.mulf %squeeze3A_39, %squeeze3A_41 : f32
    %slice3A_43 = vector.extract_strided_slice %get3A_25 {offsets = [3], sizes = [1], strides = [1]} : vector<16xf32> to vector<1xf32>
    %squeeze3A_44 = vector.extract %slice3A_43[0] : f32 from vector<1xf32>
    %slice3A_45 = vector.extract_strided_slice %get3A_29 {offsets = [3], sizes = [1], strides = [1]} : vector<16xf32> to vector<1xf32>
    %squeeze3A_46 = vector.extract %slice3A_45[0] : f32 from vector<1xf32>
    %mul3A_47 = arith.mulf %squeeze3A_44, %squeeze3A_46 : f32
    %slice3A_48 = vector.extract_strided_slice %get3A_25 {offsets = [4], sizes = [1], strides = [1]} : vector<16xf32> to vector<1xf32>
    %squeeze3A_49 = vector.extract %slice3A_48[0] : f32 from vector<1xf32>
    %slice3A_50 = vector.extract_strided_slice %get3A_29 {offsets = [4], sizes = [1], strides = [1]} : vector<16xf32> to vector<1xf32>
    %squeeze3A_51 = vector.extract %slice3A_50[0] : f32 from vector<1xf32>
    %mul3A_52 = arith.mulf %squeeze3A_49, %squeeze3A_51 : f32
    %slice3A_53 = vector.extract_strided_slice %get3A_25 {offsets = [5], sizes = [1], strides = [1]} : vector<16xf32> to vector<1xf32>
    %squeeze3A_54 = vector.extract %slice3A_53[0] : f32 from vector<1xf32>
    %slice3A_55 = vector.extract_strided_slice %get3A_29 {offsets = [5], sizes = [1], strides = [1]} : vector<16xf32> to vector<1xf32>
    %squeeze3A_56 = vector.extract %slice3A_55[0] : f32 from vector<1xf32>
    %mul3A_57 = arith.mulf %squeeze3A_54, %squeeze3A_56 : f32
    %slice3A_58 = vector.extract_strided_slice %get3A_25 {offsets = [6], sizes = [1], strides = [1]} : vector<16xf32> to vector<1xf32>
    %squeeze3A_59 = vector.extract %slice3A_58[0] : f32 from vector<1xf32>
    %slice3A_60 = vector.extract_strided_slice %get3A_29 {offsets = [6], sizes = [1], strides = [1]} : vector<16xf32> to vector<1xf32>
    %squeeze3A_61 = vector.extract %slice3A_60[0] : f32 from vector<1xf32>
    %mul3A_62 = arith.mulf %squeeze3A_59, %squeeze3A_61 : f32
    %slice3A_63 = vector.extract_strided_slice %get3A_25 {offsets = [7], sizes = [1], strides = [1]} : vector<16xf32> to vector<1xf32>
    %squeeze3A_64 = vector.extract %slice3A_63[0] : f32 from vector<1xf32>
    %slice3A_65 = vector.extract_strided_slice %get3A_29 {offsets = [6], sizes = [1], strides = [1]} : vector<16xf32> to vector<1xf32>
    %squeeze3A_66 = vector.extract %slice3A_65[0] : f32 from vector<1xf32>
    %mul3A_67 = arith.mulf %squeeze3A_64, %squeeze3A_66 : f32
    %slice3A_68 = vector.extract_strided_slice %get3A_25 {offsets = [8], sizes = [1], strides = [1]} : vector<16xf32> to vector<1xf32>
    %squeeze3A_69 = vector.extract %slice3A_68[0] : f32 from vector<1xf32>
    %slice3A_70 = vector.extract_strided_slice %get3A_29 {offsets = [6], sizes = [1], strides = [1]} : vector<16xf32> to vector<1xf32>
    %squeeze3A_71 = vector.extract %slice3A_70[0] : f32 from vector<1xf32>
    %mul3A_72 = arith.mulf %squeeze3A_69, %squeeze3A_71 : f32
    %slice3A_73 = vector.extract_strided_slice %get3A_25 {offsets = [9], sizes = [1], strides = [1]} : vector<16xf32> to vector<1xf32>
    %squeeze3A_74 = vector.extract %slice3A_73[0] : f32 from vector<1xf32>
    %slice3A_75 = vector.extract_strided_slice %get3A_29 {offsets = [7], sizes = [1], strides = [1]} : vector<16xf32> to vector<1xf32>
    %squeeze3A_76 = vector.extract %slice3A_75[0] : f32 from vector<1xf32>
    %mul3A_77 = arith.mulf %squeeze3A_74, %squeeze3A_76 : f32
    %slice3A_78 = vector.extract_strided_slice %get3A_25 {offsets = [10], sizes = [1], strides = [1]} : vector<16xf32> to vector<1xf32>
    %squeeze3A_79 = vector.extract %slice3A_78[0] : f32 from vector<1xf32>
    %slice3A_80 = vector.extract_strided_slice %get3A_29 {offsets = [8], sizes = [1], strides = [1]} : vector<16xf32> to vector<1xf32>
    %squeeze3A_81 = vector.extract %slice3A_80[0] : f32 from vector<1xf32>
    %mul3A_82 = arith.mulf %squeeze3A_79, %squeeze3A_81 : f32
    %slice3A_83 = vector.extract_strided_slice %get3A_25 {offsets = [11], sizes = [1], strides = [1]} : vector<16xf32> to vector<1xf32>
    %squeeze3A_84 = vector.extract %slice3A_83[0] : f32 from vector<1xf32>
    %slice3A_85 = vector.extract_strided_slice %get3A_29 {offsets = [8], sizes = [1], strides = [1]} : vector<16xf32> to vector<1xf32>
    %squeeze3A_86 = vector.extract %slice3A_85[0] : f32 from vector<1xf32>
    %mul3A_87 = arith.mulf %squeeze3A_84, %squeeze3A_86 : f32
    %slice3A_88 = vector.extract_strided_slice %get3A_25 {offsets = [12], sizes = [1], strides = [1]} : vector<16xf32> to vector<1xf32>
    %squeeze3A_89 = vector.extract %slice3A_88[0] : f32 from vector<1xf32>
    %slice3A_90 = vector.extract_strided_slice %get3A_29 {offsets = [9], sizes = [1], strides = [1]} : vector<16xf32> to vector<1xf32>
    %squeeze3A_91 = vector.extract %slice3A_90[0] : f32 from vector<1xf32>
    %mul3A_92 = arith.mulf %squeeze3A_89, %squeeze3A_91 : f32
    %slice3A_93 = vector.extract_strided_slice %get3A_25 {offsets = [13], sizes = [1], strides = [1]} : vector<16xf32> to vector<1xf32>
    %squeeze3A_94 = vector.extract %slice3A_93[0] : f32 from vector<1xf32>
    %slice3A_95 = vector.extract_strided_slice %get3A_29 {offsets = [9], sizes = [1], strides = [1]} : vector<16xf32> to vector<1xf32>
    %squeeze3A_96 = vector.extract %slice3A_95[0] : f32 from vector<1xf32>
    %mul3A_97 = arith.mulf %squeeze3A_94, %squeeze3A_96 : f32
    %slice3A_98 = vector.extract_strided_slice %get3A_25 {offsets = [14], sizes = [1], strides = [1]} : vector<16xf32> to vector<1xf32>
    %squeeze3A_99 = vector.extract %slice3A_98[0] : f32 from vector<1xf32>
    %slice3A_100 = vector.extract_strided_slice %get3A_29 {offsets = [10], sizes = [1], strides = [1]} : vector<16xf32> to vector<1xf32>
    %squeeze3A_101 = vector.extract %slice3A_100[0] : f32 from vector<1xf32>
    %mul3A_102 = arith.mulf %squeeze3A_99, %squeeze3A_101 : f32
    %slice3A_103 = vector.extract_strided_slice %get3A_25 {offsets = [15], sizes = [1], strides = [1]} : vector<16xf32> to vector<1xf32>
    %squeeze3A_104 = vector.extract %slice3A_103[0] : f32 from vector<1xf32>
    %slice3A_105 = vector.extract_strided_slice %get3A_29 {offsets = [11], sizes = [1], strides = [1]} : vector<16xf32> to vector<1xf32>
    %squeeze3A_106 = vector.extract %slice3A_105[0] : f32 from vector<1xf32>
    %mul3A_107 = arith.mulf %squeeze3A_104, %squeeze3A_106 : f32
    %slice3A_108 = vector.extract_strided_slice %get3A_27 {offsets = [0], sizes = [1], strides = [1]} : vector<16xf32> to vector<1xf32>
    %squeeze3A_109 = vector.extract %slice3A_108[0] : f32 from vector<1xf32>
    %slice3A_110 = vector.extract_strided_slice %get3A_29 {offsets = [11], sizes = [1], strides = [1]} : vector<16xf32> to vector<1xf32>
    %squeeze3A_111 = vector.extract %slice3A_110[0] : f32 from vector<1xf32>
    %mul3A_112 = arith.mulf %squeeze3A_109, %squeeze3A_111 : f32
    %slice3A_113 = vector.extract_strided_slice %get3A_27 {offsets = [1], sizes = [1], strides = [1]} : vector<16xf32> to vector<1xf32>
    %squeeze3A_114 = vector.extract %slice3A_113[0] : f32 from vector<1xf32>
    %slice3A_115 = vector.extract_strided_slice %get3A_29 {offsets = [11], sizes = [1], strides = [1]} : vector<16xf32> to vector<1xf32>
    %squeeze3A_116 = vector.extract %slice3A_115[0] : f32 from vector<1xf32>
    %mul3A_117 = arith.mulf %squeeze3A_114, %squeeze3A_116 : f32
    %slice3A_118 = vector.extract_strided_slice %get3A_27 {offsets = [2], sizes = [1], strides = [1]} : vector<16xf32> to vector<1xf32>
    %squeeze3A_119 = vector.extract %slice3A_118[0] : f32 from vector<1xf32>
    %slice3A_120 = vector.extract_strided_slice %get3A_29 {offsets = [12], sizes = [1], strides = [1]} : vector<16xf32> to vector<1xf32>
    %squeeze3A_121 = vector.extract %slice3A_120[0] : f32 from vector<1xf32>
    %mul3A_122 = arith.mulf %squeeze3A_119, %squeeze3A_121 : f32
    %slice3A_123 = vector.extract_strided_slice %get3A_27 {offsets = [3], sizes = [1], strides = [1]} : vector<16xf32> to vector<1xf32>
    %squeeze3A_124 = vector.extract %slice3A_123[0] : f32 from vector<1xf32>
    %slice3A_125 = vector.extract_strided_slice %get3A_29 {offsets = [12], sizes = [1], strides = [1]} : vector<16xf32> to vector<1xf32>
    %squeeze3A_126 = vector.extract %slice3A_125[0] : f32 from vector<1xf32>
    %mul3A_127 = arith.mulf %squeeze3A_124, %squeeze3A_126 : f32
    %slice3A_128 = vector.extract_strided_slice %get3A_27 {offsets = [4], sizes = [1], strides = [1]} : vector<16xf32> to vector<1xf32>
    %squeeze3A_129 = vector.extract %slice3A_128[0] : f32 from vector<1xf32>
    %slice3A_130 = vector.extract_strided_slice %get3A_29 {offsets = [12], sizes = [1], strides = [1]} : vector<16xf32> to vector<1xf32>
    %squeeze3A_131 = vector.extract %slice3A_130[0] : f32 from vector<1xf32>
    %mul3A_132 = arith.mulf %squeeze3A_129, %squeeze3A_131 : f32
    %slice3A_133 = vector.extract_strided_slice %get3A_27 {offsets = [5], sizes = [1], strides = [1]} : vector<16xf32> to vector<1xf32>
    %squeeze3A_134 = vector.extract %slice3A_133[0] : f32 from vector<1xf32>
    %slice3A_135 = vector.extract_strided_slice %get3A_29 {offsets = [13], sizes = [1], strides = [1]} : vector<16xf32> to vector<1xf32>
    %squeeze3A_136 = vector.extract %slice3A_135[0] : f32 from vector<1xf32>
    %mul3A_137 = arith.mulf %squeeze3A_134, %squeeze3A_136 : f32
    %slice3A_138 = vector.extract_strided_slice %get3A_27 {offsets = [6], sizes = [1], strides = [1]} : vector<16xf32> to vector<1xf32>
    %squeeze3A_139 = vector.extract %slice3A_138[0] : f32 from vector<1xf32>
    %slice3A_140 = vector.extract_strided_slice %get3A_29 {offsets = [13], sizes = [1], strides = [1]} : vector<16xf32> to vector<1xf32>
    %squeeze3A_141 = vector.extract %slice3A_140[0] : f32 from vector<1xf32>
    %mul3A_142 = arith.mulf %squeeze3A_139, %squeeze3A_141 : f32
    %slice3A_143 = vector.extract_strided_slice %get3A_27 {offsets = [7], sizes = [1], strides = [1]} : vector<16xf32> to vector<1xf32>
    %squeeze3A_144 = vector.extract %slice3A_143[0] : f32 from vector<1xf32>
    %slice3A_145 = vector.extract_strided_slice %get3A_29 {offsets = [13], sizes = [1], strides = [1]} : vector<16xf32> to vector<1xf32>
    %squeeze3A_146 = vector.extract %slice3A_145[0] : f32 from vector<1xf32>
    %mul3A_147 = arith.mulf %squeeze3A_144, %squeeze3A_146 : f32
    %slice3A_148 = vector.extract_strided_slice %get3A_27 {offsets = [8], sizes = [1], strides = [1]} : vector<16xf32> to vector<1xf32>
    %squeeze3A_149 = vector.extract %slice3A_148[0] : f32 from vector<1xf32>
    %slice3A_150 = vector.extract_strided_slice %get3A_29 {offsets = [14], sizes = [1], strides = [1]} : vector<16xf32> to vector<1xf32>
    %squeeze3A_151 = vector.extract %slice3A_150[0] : f32 from vector<1xf32>
    %mul3A_152 = arith.mulf %squeeze3A_149, %squeeze3A_151 : f32
    %slice3A_153 = vector.extract_strided_slice %get3A_27 {offsets = [9], sizes = [1], strides = [1]} : vector<16xf32> to vector<1xf32>
    %squeeze3A_154 = vector.extract %slice3A_153[0] : f32 from vector<1xf32>
    %slice3A_155 = vector.extract_strided_slice %get3A_29 {offsets = [14], sizes = [1], strides = [1]} : vector<16xf32> to vector<1xf32>
    %squeeze3A_156 = vector.extract %slice3A_155[0] : f32 from vector<1xf32>
    %mul3A_157 = arith.mulf %squeeze3A_154, %squeeze3A_156 : f32
    %slice3A_158 = vector.extract_strided_slice %get3A_27 {offsets = [10], sizes = [1], strides = [1]} : vector<16xf32> to vector<1xf32>
    %squeeze3A_159 = vector.extract %slice3A_158[0] : f32 from vector<1xf32>
    %slice3A_160 = vector.extract_strided_slice %get3A_29 {offsets = [15], sizes = [1], strides = [1]} : vector<16xf32> to vector<1xf32>
    %squeeze3A_161 = vector.extract %slice3A_160[0] : f32 from vector<1xf32>
    %mul3A_162 = arith.mulf %squeeze3A_159, %squeeze3A_161 : f32
    %slice3A_163 = vector.extract_strided_slice %get3A_27 {offsets = [11], sizes = [1], strides = [1]} : vector<16xf32> to vector<1xf32>
    %squeeze3A_164 = vector.extract %slice3A_163[0] : f32 from vector<1xf32>
    %slice3A_165 = vector.extract_strided_slice %get3A_29 {offsets = [15], sizes = [1], strides = [1]} : vector<16xf32> to vector<1xf32>
    %squeeze3A_166 = vector.extract %slice3A_165[0] : f32 from vector<1xf32>
    %mul3A_167 = arith.mulf %squeeze3A_164, %squeeze3A_166 : f32
    %broadcast_in_dim3A = vector.broadcast %mul3A_32 : f32 to vector<16xf32>
    %broadcast_in_dim3A_168 = vector.broadcast %mul3A_67 : f32 to vector<16xf32>
    %while3A = arith.constant 0 : i32
    %while3A_169 = arith.constant 0 : i32
    %while3A_170 = arith.subi %select_n3A, %while3A_169 : i32
    %while3A_171 = arith.addi %while3A_169, %while3A_170 : i32
    %while3A_172 = arith.constant 1 : i32
    %while3A_173 = arith.divsi %while3A_170, %while3A_172 : i32
    %while3A_174 = arith.muli %while3A_173, %while3A_172 : i32
    %while3A_175 = arith.addi %while3A_169, %while3A_174 : i32
    %while3A_176 = arith.constant 1 : i32
    scf.for %while3A_279 = %while3A_169 to %while3A_175 step %while3A_176  : i32 {
      %and3A_280 = arith.constant 1 : i32
      %and3A_281 = arith.andi %while3A_279, %and3A_280 : i32
      %eq3A_282 = arith.constant 0 : i32
      %eq3A_283 = arith.cmpi eq, %and3A_281, %eq3A_282 : i32
      %convert_element_type3A_284 = arith.extui %eq3A_283 : i1 to i32
      %cond3A_285 = arith.constant 0 : i32
      %cond3A_286 = arith.cmpi ne, %convert_element_type3A_284, %cond3A_285 : i32
      scf.if %cond3A_286 {
        %mul3A_294 = arith.constant 32 : i32
        %mul3A_295 = arith.muli %while3A_279, %mul3A_294 : i32
        %add3A_296 = arith.addi %add3A, %mul3A_295 : i32
        %dma_wait3A = arith.constant 0 : i32
        %dma_wait3A_297 = tpu.memref_slice %arg2[%dma_wait3A] : memref<4800000xf32, #tpu.memory_space<hbm>> -> memref<3840xf32, #tpu.memory_space<hbm>>
        %dma_wait3A_298 = arith.constant 0 : i32
        %dma_wait3A_299 = tpu.memref_slice %arg2[%dma_wait3A_298] : memref<4800000xf32, #tpu.memory_space<hbm>> -> memref<3840xf32, #tpu.memory_space<hbm>>
        tpu.wait_dma2 semaphore(%arg14 : memref<!tpu.dma_semaphore, #tpu.memory_space<semaphore_mem>>) src(%dma_wait3A_299 : memref<3840xf32, #tpu.memory_space<hbm>>) dst(%arg6 : memref<3840xf32, #tpu.memory_space<vmem>>)
        %add3A_300 = arith.constant 1 : i32
        %add3A_301 = arith.addi %while3A_279, %add3A_300 : i32
        %lt3A_302 = arith.cmpi slt, %add3A_301, %select_n3A : i32
        %convert_element_type3A_303 = arith.extui %lt3A_302 : i1 to i32
        %cond3A_304 = arith.constant 0 : i32
        %cond3A_305 = arith.cmpi ne, %convert_element_type3A_303, %cond3A_304 : i32
        scf.if %cond3A_305 {
          %add3A_325 = arith.constant 1 : i32
          %add3A_326 = arith.addi %while3A_279, %add3A_325 : i32
          %mul3A_327 = arith.constant 32 : i32
          %mul3A_328 = arith.muli %add3A_326, %mul3A_327 : i32
          %add3A_329 = arith.addi %add3A, %mul3A_328 : i32
          %mul3A_330 = arith.constant 3840 : i32
          %mul3A_331 = arith.muli %add3A_329, %mul3A_330 : i32
          %dma_start3A_332 = tpu.memref_slice %arg2[%mul3A_331] : memref<4800000xf32, #tpu.memory_space<hbm>> -> memref<3840xf32, #tpu.memory_space<hbm>>
          %dma_start3A_333 = tpu.memref_slice %arg2[%mul3A_331] : memref<4800000xf32, #tpu.memory_space<hbm>> -> memref<3840xf32, #tpu.memory_space<hbm>>
          tpu.enqueue_dma source(%dma_start3A_333 : memref<3840xf32, #tpu.memory_space<hbm>>) target(%arg7 : memref<3840xf32, #tpu.memory_space<vmem>>) target_semaphore(%arg15 : memref<!tpu.dma_semaphore, #tpu.memory_space<semaphore_mem>>)
        } else {
        }
        %ge3A_306 = arith.constant 2 : i32
        %ge3A_307 = arith.cmpi sge, %while3A_279, %ge3A_306 : i32
        %convert_element_type3A_308 = arith.extui %ge3A_307 : i1 to i32
        %cond3A_309 = arith.constant 0 : i32
        %cond3A_310 = arith.cmpi ne, %convert_element_type3A_308, %cond3A_309 : i32
        scf.if %cond3A_310 {
          %dma_wait3A_325 = arith.constant 0 : i32
          %dma_wait3A_326 = tpu.memref_slice %arg5[%dma_wait3A_325] : memref<25600000xf32, #tpu.memory_space<hbm>> -> memref<10240xf32, #tpu.memory_space<hbm>>
          %dma_wait3A_327 = arith.constant 0 : i32
          %dma_wait3A_328 = tpu.memref_slice %arg5[%dma_wait3A_327] : memref<25600000xf32, #tpu.memory_space<hbm>> -> memref<10240xf32, #tpu.memory_space<hbm>>
          tpu.wait_dma2 semaphore(%arg16 : memref<!tpu.dma_semaphore, #tpu.memory_space<semaphore_mem>>) src(%arg8 : memref<10240xf32, #tpu.memory_space<vmem>>) dst(%dma_wait3A_328 : memref<10240xf32, #tpu.memory_space<hbm>>)
          %dma_wait3A_329 = arith.constant 0 : i32
          %dma_wait3A_330 = tpu.memref_slice %arg5[%dma_wait3A_329] : memref<25600000xf32, #tpu.memory_space<hbm>> -> memref<10240xf32, #tpu.memory_space<hbm>>
          %dma_wait3A_331 = arith.constant 0 : i32
          %dma_wait3A_332 = tpu.memref_slice %arg5[%dma_wait3A_331] : memref<25600000xf32, #tpu.memory_space<hbm>> -> memref<10240xf32, #tpu.memory_space<hbm>>
          tpu.wait_dma2 semaphore(%arg16 : memref<!tpu.dma_semaphore, #tpu.memory_space<semaphore_mem>>) src(%arg9 : memref<10240xf32, #tpu.memory_space<vmem>>) dst(%dma_wait3A_332 : memref<10240xf32, #tpu.memory_space<hbm>>)
        } else {
        }
        %scan3A = arith.constant 0 : i32
        %scan3A_311 = arith.constant 0 : i32
        %scan3A_312 = arith.constant 80 : i32
        %scan3A_313 = arith.addi %scan3A_311, %scan3A_312 : i32
        %scan3A_314 = arith.constant 1 : i32
        scf.for %scan3A_325 = %scan3A_311 to %scan3A_313 step %scan3A_314  : i32 {
          %shift_right_arithmetic3A = arith.constant 3 : i32
          %shift_right_arithmetic3A_326 = arith.shrsi %scan3A_325, %shift_right_arithmetic3A : i32
          %mul3A_327 = arith.constant 384 : i32
          %mul3A_328 = arith.muli %shift_right_arithmetic3A_326, %mul3A_327 : i32
          %and3A_329 = arith.constant 7 : i32
          %and3A_330 = arith.andi %scan3A_325, %and3A_329 : i32
          %shift_left3A = arith.constant 4 : i32
          %shift_left3A_331 = arith.shli %and3A_330, %shift_left3A : i32
          %add3A_332 = arith.addi %mul3A_328, %shift_left3A_331 : i32
          %get3A_333 = arith.index_cast %add3A_332 : i32 to index
          %get3A_334 = tpu.vector_load %arg6[%get3A_333] {strides = array<i32>} : memref<3840xf32, #tpu.memory_space<vmem>>, vector<16xf32>,
          %add3A_335 = arith.constant 128 : i32
          %add3A_336 = arith.addi %add3A_332, %add3A_335 : i32
          %get3A_337 = arith.index_cast %add3A_336 : i32 to index
          %get3A_338 = tpu.vector_load %arg6[%get3A_337] {strides = array<i32>} : memref<3840xf32, #tpu.memory_space<vmem>>, vector<16xf32>,
          %add3A_339 = arith.constant 256 : i32
          %add3A_340 = arith.addi %add3A_332, %add3A_339 : i32
          %get3A_341 = arith.index_cast %add3A_340 : i32 to index
          %get3A_342 = tpu.vector_load %arg6[%get3A_341] {strides = array<i32>} : memref<3840xf32, #tpu.memory_space<vmem>>, vector<16xf32>,
          %mul3A_343 = arith.mulf %get3A_334, %get3A_334 : vector<16xf32>
          %mul3A_344 = arith.mulf %get3A_338, %get3A_338 : vector<16xf32>
          %mul3A_345 = arith.mulf %get3A_342, %get3A_342 : vector<16xf32>
          %mul3A_346 = arith.mulf %get3A_334, %get3A_338 : vector<16xf32>
          %mul3A_347 = arith.mulf %get3A_334, %get3A_342 : vector<16xf32>
          %mul3A_348 = arith.mulf %mul3A_346, %get3A_342 : vector<16xf32>
          %div3A_349 = arith.divf %mul3A_344, %mul3A_343 : vector<16xf32>
          %mul3A_350 = arith.mulf %get3A_334, %mul3A_346 : vector<16xf32>
          %mul3A_351 = arith.mulf %mul3A_346, %mul3A_346 : vector<16xf32>
          %mul3A_352 = arith.mulf %mul3A_343, %mul3A_346 : vector<16xf32>
          %mul3A_353 = arith.mulf %mul3A_346, %mul3A_351 : vector<16xf32>
          %mul3A_354 = arith.mulf %mul3A_350, %get3A_342 : vector<16xf32>
          %mul3A_355 = arith.mulf %mul3A_348, %get3A_342 : vector<16xf32>
          %mul3A_356 = arith.mulf %mul3A_345, %get3A_342 : vector<16xf32>
          %mul3A_357 = arith.mulf %mul3A_347, %get3A_342 : vector<16xf32>
          %mul3A_358 = arith.mulf %mul3A_343, %get3A_342 : vector<16xf32>
          %mul3A_359 = arith.mulf %mul3A_351, %get3A_342 : vector<16xf32>
          %mul3A_360 = arith.mulf %get3A_334, %mul3A_343 : vector<16xf32>
          %mul3A_361 = arith.mulf %get3A_334, %mul3A_351 : vector<16xf32>
          %mul3A_362 = arith.mulf %div3A_349, %get3A_342 : vector<16xf32>
          %mul3A_363 = arith.mulf %div3A_349, %mul3A_346 : vector<16xf32>
          %mul3A_364 = arith.mulf %div3A_349, %get3A_334 : vector<16xf32>
          %mul3A_365 = vector.broadcast %mul3A_37 : f32 to vector<16xf32>
          %mul3A_366 = arith.mulf %mul3A_365, %mul3A_346 : vector<16xf32>
          %mul3A_367 = vector.broadcast %mul3A_42 : f32 to vector<16xf32>
          %mul3A_368 = arith.mulf %mul3A_367, %get3A_342 : vector<16xf32>
          %mul3A_369 = vector.broadcast %mul3A_47 : f32 to vector<16xf32>
          %mul3A_370 = arith.mulf %mul3A_369, %get3A_334 : vector<16xf32>
          %mul3A_371 = vector.broadcast %mul3A_52 : f32 to vector<16xf32>
          %mul3A_372 = arith.mulf %mul3A_371, %mul3A_350 : vector<16xf32>
          %mul3A_373 = vector.broadcast %mul3A_57 : f32 to vector<16xf32>
          %mul3A_374 = arith.mulf %mul3A_373, %mul3A_348 : vector<16xf32>
          %mul3A_375 = vector.broadcast %mul3A_62 : f32 to vector<16xf32>
          %mul3A_376 = arith.mulf %mul3A_375, %mul3A_345 : vector<16xf32>
          %mul3A_377 = vector.broadcast %mul3A_72 : f32 to vector<16xf32>
          %mul3A_378 = arith.mulf %mul3A_377, %div3A_349 : vector<16xf32>
          %add3A_379 = arith.addf %mul3A_376, %mul3A_378 : vector<16xf32>
          %add3A_380 = arith.addf %add3A_379, %broadcast_in_dim3A_168 : vector<16xf32>
          %mul3A_381 = vector.broadcast %mul3A_77 : f32 to vector<16xf32>
          %mul3A_382 = arith.mulf %mul3A_381, %mul3A_347 : vector<16xf32>
          %mul3A_383 = vector.broadcast %mul3A_82 : f32 to vector<16xf32>
          %mul3A_384 = arith.mulf %mul3A_383, %mul3A_343 : vector<16xf32>
          %mul3A_385 = vector.broadcast %mul3A_87 : f32 to vector<16xf32>
          %mul3A_386 = arith.mulf %mul3A_385, %mul3A_351 : vector<16xf32>
          %add3A_387 = arith.addf %mul3A_384, %mul3A_386 : vector<16xf32>
          %mul3A_388 = vector.broadcast %mul3A_92 : f32 to vector<16xf32>
          %mul3A_389 = arith.mulf %mul3A_388, %mul3A_352 : vector<16xf32>
          %mul3A_390 = vector.broadcast %mul3A_97 : f32 to vector<16xf32>
          %mul3A_391 = arith.mulf %mul3A_390, %mul3A_353 : vector<16xf32>
          %add3A_392 = arith.addf %mul3A_389, %mul3A_391 : vector<16xf32>
          %mul3A_393 = vector.broadcast %mul3A_102 : f32 to vector<16xf32>
          %mul3A_394 = arith.mulf %mul3A_393, %mul3A_354 : vector<16xf32>
          %mul3A_395 = vector.broadcast %mul3A_107 : f32 to vector<16xf32>
          %mul3A_396 = arith.mulf %mul3A_395, %mul3A_355 : vector<16xf32>
          %mul3A_397 = vector.broadcast %mul3A_112 : f32 to vector<16xf32>
          %mul3A_398 = arith.mulf %mul3A_397, %mul3A_346 : vector<16xf32>
          %add3A_399 = arith.addf %mul3A_396, %mul3A_398 : vector<16xf32>
          %mul3A_400 = vector.broadcast %mul3A_117 : f32 to vector<16xf32>
          %mul3A_401 = arith.mulf %mul3A_400, %mul3A_363 : vector<16xf32>
          %add3A_402 = arith.addf %add3A_399, %mul3A_401 : vector<16xf32>
          %mul3A_403 = vector.broadcast %mul3A_122 : f32 to vector<16xf32>
          %mul3A_404 = arith.mulf %mul3A_403, %mul3A_356 : vector<16xf32>
          %mul3A_405 = vector.broadcast %mul3A_127 : f32 to vector<16xf32>
          %mul3A_406 = arith.mulf %mul3A_405, %get3A_342 : vector<16xf32>
          %add3A_407 = arith.addf %mul3A_404, %mul3A_406 : vector<16xf32>
          %mul3A_408 = vector.broadcast %mul3A_132 : f32 to vector<16xf32>
          %mul3A_409 = arith.mulf %mul3A_408, %mul3A_362 : vector<16xf32>
          %add3A_410 = arith.addf %add3A_407, %mul3A_409 : vector<16xf32>
          %mul3A_411 = vector.broadcast %mul3A_137 : f32 to vector<16xf32>
          %mul3A_412 = arith.mulf %mul3A_411, %mul3A_357 : vector<16xf32>
          %mul3A_413 = vector.broadcast %mul3A_142 : f32 to vector<16xf32>
          %mul3A_414 = arith.mulf %mul3A_413, %get3A_334 : vector<16xf32>
          %add3A_415 = arith.addf %mul3A_412, %mul3A_414 : vector<16xf32>
          %mul3A_416 = vector.broadcast %mul3A_147 : f32 to vector<16xf32>
          %mul3A_417 = arith.mulf %mul3A_416, %mul3A_364 : vector<16xf32>
          %add3A_418 = arith.addf %add3A_415, %mul3A_417 : vector<16xf32>
          %mul3A_419 = vector.broadcast %mul3A_152 : f32 to vector<16xf32>
          %mul3A_420 = arith.mulf %mul3A_419, %mul3A_358 : vector<16xf32>
          %mul3A_421 = vector.broadcast %mul3A_157 : f32 to vector<16xf32>
          %mul3A_422 = arith.mulf %mul3A_421, %mul3A_359 : vector<16xf32>
          %add3A_423 = arith.addf %mul3A_420, %mul3A_422 : vector<16xf32>
          %mul3A_424 = vector.broadcast %mul3A_162 : f32 to vector<16xf32>
          %mul3A_425 = arith.mulf %mul3A_424, %mul3A_360 : vector<16xf32>
          %mul3A_426 = vector.broadcast %mul3A_167 : f32 to vector<16xf32>
          %mul3A_427 = arith.mulf %mul3A_426, %mul3A_361 : vector<16xf32>
          %add3A_428 = arith.addf %mul3A_425, %mul3A_427 : vector<16xf32>
          %shift_right_arithmetic3A_429 = arith.constant 3 : i32
          %shift_right_arithmetic3A_430 = arith.shrsi %scan3A_325, %shift_right_arithmetic3A_429 : i32
          %shift_left3A_431 = arith.constant 10 : i32
          %shift_left3A_432 = arith.shli %shift_right_arithmetic3A_430, %shift_left3A_431 : i32
          %and3A_433 = arith.constant 7 : i32
          %and3A_434 = arith.andi %scan3A_325, %and3A_433 : i32
          %shift_left3A_435 = arith.constant 4 : i32
          %shift_left3A_436 = arith.shli %and3A_434, %shift_left3A_435 : i32
          %add3A_437 = arith.addi %shift_left3A_432, %shift_left3A_436 : i32
          %add3A_438 = arith.constant 0 : i32
          %add3A_439 = arith.addi %add3A_437, %add3A_438 : i32
          %swap3A = arith.index_cast %add3A_439 : i32 to index
          %swap3A_440 = tpu.vector_load %arg8[%swap3A] {strides = array<i32>} : memref<10240xf32, #tpu.memory_space<vmem>>, vector<16xf32>,
          tpu.vector_store %arg8[%swap3A], %broadcast_in_dim3A {strides = array<i32>} : memref<10240xf32, #tpu.memory_space<vmem>>, vector<16xf32>,
          %add3A_441 = arith.constant 0 : i32
          %add3A_442 = arith.addi %add3A_437, %add3A_441 : i32
          %swap3A_443 = arith.index_cast %add3A_442 : i32 to index
          %swap3A_444 = tpu.vector_load %arg9[%swap3A_443] {strides = array<i32>} : memref<10240xf32, #tpu.memory_space<vmem>>, vector<16xf32>,
          tpu.vector_store %arg9[%swap3A_443], %add3A_387 {strides = array<i32>} : memref<10240xf32, #tpu.memory_space<vmem>>, vector<16xf32>,
          %add3A_445 = arith.constant 128 : i32
          %add3A_446 = arith.addi %add3A_437, %add3A_445 : i32
          %swap3A_447 = arith.index_cast %add3A_446 : i32 to index
          %swap3A_448 = tpu.vector_load %arg8[%swap3A_447] {strides = array<i32>} : memref<10240xf32, #tpu.memory_space<vmem>>, vector<16xf32>,
          tpu.vector_store %arg8[%swap3A_447], %mul3A_366 {strides = array<i32>} : memref<10240xf32, #tpu.memory_space<vmem>>, vector<16xf32>,
          %add3A_449 = arith.constant 128 : i32
          %add3A_450 = arith.addi %add3A_437, %add3A_449 : i32
          %swap3A_451 = arith.index_cast %add3A_450 : i32 to index
          %swap3A_452 = tpu.vector_load %arg9[%swap3A_451] {strides = array<i32>} : memref<10240xf32, #tpu.memory_space<vmem>>, vector<16xf32>,
          tpu.vector_store %arg9[%swap3A_451], %add3A_392 {strides = array<i32>} : memref<10240xf32, #tpu.memory_space<vmem>>, vector<16xf32>,
          %add3A_453 = arith.constant 256 : i32
          %add3A_454 = arith.addi %add3A_437, %add3A_453 : i32
          %swap3A_455 = arith.index_cast %add3A_454 : i32 to index
          %swap3A_456 = tpu.vector_load %arg8[%swap3A_455] {strides = array<i32>} : memref<10240xf32, #tpu.memory_space<vmem>>, vector<16xf32>,
          tpu.vector_store %arg8[%swap3A_455], %mul3A_368 {strides = array<i32>} : memref<10240xf32, #tpu.memory_space<vmem>>, vector<16xf32>,
          %add3A_457 = arith.constant 256 : i32
          %add3A_458 = arith.addi %add3A_437, %add3A_457 : i32
          %swap3A_459 = arith.index_cast %add3A_458 : i32 to index
          %swap3A_460 = tpu.vector_load %arg9[%swap3A_459] {strides = array<i32>} : memref<10240xf32, #tpu.memory_space<vmem>>, vector<16xf32>,
          tpu.vector_store %arg9[%swap3A_459], %mul3A_394 {strides = array<i32>} : memref<10240xf32, #tpu.memory_space<vmem>>, vector<16xf32>,
          %add3A_461 = arith.constant 384 : i32
          %add3A_462 = arith.addi %add3A_437, %add3A_461 : i32
          %swap3A_463 = arith.index_cast %add3A_462 : i32 to index
          %swap3A_464 = tpu.vector_load %arg8[%swap3A_463] {strides = array<i32>} : memref<10240xf32, #tpu.memory_space<vmem>>, vector<16xf32>,
          tpu.vector_store %arg8[%swap3A_463], %mul3A_370 {strides = array<i32>} : memref<10240xf32, #tpu.memory_space<vmem>>, vector<16xf32>,
          %add3A_465 = arith.constant 384 : i32
          %add3A_466 = arith.addi %add3A_437, %add3A_465 : i32
          %swap3A_467 = arith.index_cast %add3A_466 : i32 to index
          %swap3A_468 = tpu.vector_load %arg9[%swap3A_467] {strides = array<i32>} : memref<10240xf32, #tpu.memory_space<vmem>>, vector<16xf32>,
          tpu.vector_store %arg9[%swap3A_467], %add3A_402 {strides = array<i32>} : memref<10240xf32, #tpu.memory_space<vmem>>, vector<16xf32>,
          %add3A_469 = arith.constant 512 : i32
          %add3A_470 = arith.addi %add3A_437, %add3A_469 : i32
          %swap3A_471 = arith.index_cast %add3A_470 : i32 to index
          %swap3A_472 = tpu.vector_load %arg8[%swap3A_471] {strides = array<i32>} : memref<10240xf32, #tpu.memory_space<vmem>>, vector<16xf32>,
          tpu.vector_store %arg8[%swap3A_471], %mul3A_372 {strides = array<i32>} : memref<10240xf32, #tpu.memory_space<vmem>>, vector<16xf32>,
          %add3A_473 = arith.constant 512 : i32
          %add3A_474 = arith.addi %add3A_437, %add3A_473 : i32
          %swap3A_475 = arith.index_cast %add3A_474 : i32 to index
          %swap3A_476 = tpu.vector_load %arg9[%swap3A_475] {strides = array<i32>} : memref<10240xf32, #tpu.memory_space<vmem>>, vector<16xf32>,
          tpu.vector_store %arg9[%swap3A_475], %add3A_410 {strides = array<i32>} : memref<10240xf32, #tpu.memory_space<vmem>>, vector<16xf32>,
          %add3A_477 = arith.constant 640 : i32
          %add3A_478 = arith.addi %add3A_437, %add3A_477 : i32
          %swap3A_479 = arith.index_cast %add3A_478 : i32 to index
          %swap3A_480 = tpu.vector_load %arg8[%swap3A_479] {strides = array<i32>} : memref<10240xf32, #tpu.memory_space<vmem>>, vector<16xf32>,
          tpu.vector_store %arg8[%swap3A_479], %mul3A_374 {strides = array<i32>} : memref<10240xf32, #tpu.memory_space<vmem>>, vector<16xf32>,
          %add3A_481 = arith.constant 640 : i32
          %add3A_482 = arith.addi %add3A_437, %add3A_481 : i32
          %swap3A_483 = arith.index_cast %add3A_482 : i32 to index
          %swap3A_484 = tpu.vector_load %arg9[%swap3A_483] {strides = array<i32>} : memref<10240xf32, #tpu.memory_space<vmem>>, vector<16xf32>,
          tpu.vector_store %arg9[%swap3A_483], %add3A_418 {strides = array<i32>} : memref<10240xf32, #tpu.memory_space<vmem>>, vector<16xf32>,
          %add3A_485 = arith.constant 768 : i32
          %add3A_486 = arith.addi %add3A_437, %add3A_485 : i32
          %swap3A_487 = arith.index_cast %add3A_486 : i32 to index
          %swap3A_488 = tpu.vector_load %arg8[%swap3A_487] {strides = array<i32>} : memref<10240xf32, #tpu.memory_space<vmem>>, vector<16xf32>,
          tpu.vector_store %arg8[%swap3A_487], %add3A_380 {strides = array<i32>} : memref<10240xf32, #tpu.memory_space<vmem>>, vector<16xf32>,
          %add3A_489 = arith.constant 768 : i32
          %add3A_490 = arith.addi %add3A_437, %add3A_489 : i32
          %swap3A_491 = arith.index_cast %add3A_490 : i32 to index
          %swap3A_492 = tpu.vector_load %arg9[%swap3A_491] {strides = array<i32>} : memref<10240xf32, #tpu.memory_space<vmem>>, vector<16xf32>,
          tpu.vector_store %arg9[%swap3A_491], %add3A_423 {strides = array<i32>} : memref<10240xf32, #tpu.memory_space<vmem>>, vector<16xf32>,
          %add3A_493 = arith.constant 896 : i32
          %add3A_494 = arith.addi %add3A_437, %add3A_493 : i32
          %swap3A_495 = arith.index_cast %add3A_494 : i32 to index
          %swap3A_496 = tpu.vector_load %arg8[%swap3A_495] {strides = array<i32>} : memref<10240xf32, #tpu.memory_space<vmem>>, vector<16xf32>,
          tpu.vector_store %arg8[%swap3A_495], %mul3A_382 {strides = array<i32>} : memref<10240xf32, #tpu.memory_space<vmem>>, vector<16xf32>,
          %add3A_497 = arith.constant 896 : i32
          %add3A_498 = arith.addi %add3A_437, %add3A_497 : i32
          %swap3A_499 = arith.index_cast %add3A_498 : i32 to index
          %swap3A_500 = tpu.vector_load %arg9[%swap3A_499] {strides = array<i32>} : memref<10240xf32, #tpu.memory_space<vmem>>, vector<16xf32>,
          tpu.vector_store %arg9[%swap3A_499], %add3A_428 {strides = array<i32>} : memref<10240xf32, #tpu.memory_space<vmem>>, vector<16xf32>,
        }
        %scan3A_315 = arith.constant 80 : i32
        %mul3A_316 = arith.constant 10240 : i32
        %mul3A_317 = arith.muli %add3A_296, %mul3A_316 : i32
        %dma_start3A = tpu.memref_slice %arg5[%mul3A_317] : memref<25600000xf32, #tpu.memory_space<hbm>> -> memref<10240xf32, #tpu.memory_space<hbm>>
        %dma_start3A_318 = tpu.memref_slice %arg5[%mul3A_317] : memref<25600000xf32, #tpu.memory_space<hbm>> -> memref<10240xf32, #tpu.memory_space<hbm>>
        tpu.enqueue_dma source(%arg8 : memref<10240xf32, #tpu.memory_space<vmem>>) target(%dma_start3A_318 : memref<10240xf32, #tpu.memory_space<hbm>>) target_semaphore(%arg16 : memref<!tpu.dma_semaphore, #tpu.memory_space<semaphore_mem>>)
        %mul3A_319 = arith.constant 10240 : i32
        %mul3A_320 = arith.muli %add3A_296, %mul3A_319 : i32
        %add3A_321 = arith.constant 12800000 : i32
        %add3A_322 = arith.addi %add3A_321, %mul3A_320 : i32
        %dma_start3A_323 = tpu.memref_slice %arg5[%add3A_322] : memref<25600000xf32, #tpu.memory_space<hbm>> -> memref<10240xf32, #tpu.memory_space<hbm>>
        %dma_start3A_324 = tpu.memref_slice %arg5[%add3A_322] : memref<25600000xf32, #tpu.memory_space<hbm>> -> memref<10240xf32, #tpu.memory_space<hbm>>
        tpu.enqueue_dma source(%arg9 : memref<10240xf32, #tpu.memory_space<vmem>>) target(%dma_start3A_324 : memref<10240xf32, #tpu.memory_space<hbm>>) target_semaphore(%arg16 : memref<!tpu.dma_semaphore, #tpu.memory_space<semaphore_mem>>)
      } else {
      }
      %and3A_287 = arith.constant 1 : i32
      %and3A_288 = arith.andi %while3A_279, %and3A_287 : i32
      %eq3A_289 = arith.constant 1 : i32
      %eq3A_290 = arith.cmpi eq, %and3A_288, %eq3A_289 : i32
      %convert_element_type3A_291 = arith.extui %eq3A_290 : i1 to i32
      %cond3A_292 = arith.constant 0 : i32
      %cond3A_293 = arith.cmpi ne, %convert_element_type3A_291, %cond3A_292 : i32
      scf.if %cond3A_293 {
        %mul3A_294 = arith.constant 32 : i32
        %mul3A_295 = arith.muli %while3A_279, %mul3A_294 : i32
        %add3A_296 = arith.addi %add3A, %mul3A_295 : i32
        %dma_wait3A = arith.constant 0 : i32
        %dma_wait3A_297 = tpu.memref_slice %arg2[%dma_wait3A] : memref<4800000xf32, #tpu.memory_space<hbm>> -> memref<3840xf32, #tpu.memory_space<hbm>>
        %dma_wait3A_298 = arith.constant 0 : i32
        %dma_wait3A_299 = tpu.memref_slice %arg2[%dma_wait3A_298] : memref<4800000xf32, #tpu.memory_space<hbm>> -> memref<3840xf32, #tpu.memory_space<hbm>>
        tpu.wait_dma2 semaphore(%arg15 : memref<!tpu.dma_semaphore, #tpu.memory_space<semaphore_mem>>) src(%dma_wait3A_299 : memref<3840xf32, #tpu.memory_space<hbm>>) dst(%arg7 : memref<3840xf32, #tpu.memory_space<vmem>>)
        %add3A_300 = arith.constant 1 : i32
        %add3A_301 = arith.addi %while3A_279, %add3A_300 : i32
        %lt3A_302 = arith.cmpi slt, %add3A_301, %select_n3A : i32
        %convert_element_type3A_303 = arith.extui %lt3A_302 : i1 to i32
        %cond3A_304 = arith.constant 0 : i32
        %cond3A_305 = arith.cmpi ne, %convert_element_type3A_303, %cond3A_304 : i32
        scf.if %cond3A_305 {
          %add3A_325 = arith.constant 1 : i32
          %add3A_326 = arith.addi %while3A_279, %add3A_325 : i32
          %mul3A_327 = arith.constant 32 : i32
          %mul3A_328 = arith.muli %add3A_326, %mul3A_327 : i32
          %add3A_329 = arith.addi %add3A, %mul3A_328 : i32
          %mul3A_330 = arith.constant 3840 : i32
          %mul3A_331 = arith.muli %add3A_329, %mul3A_330 : i32
          %dma_start3A_332 = tpu.memref_slice %arg2[%mul3A_331] : memref<4800000xf32, #tpu.memory_space<hbm>> -> memref<3840xf32, #tpu.memory_space<hbm>>
          %dma_start3A_333 = tpu.memref_slice %arg2[%mul3A_331] : memref<4800000xf32, #tpu.memory_space<hbm>> -> memref<3840xf32, #tpu.memory_space<hbm>>
          tpu.enqueue_dma source(%dma_start3A_333 : memref<3840xf32, #tpu.memory_space<hbm>>) target(%arg6 : memref<3840xf32, #tpu.memory_space<vmem>>) target_semaphore(%arg14 : memref<!tpu.dma_semaphore, #tpu.memory_space<semaphore_mem>>)
        } else {
        }
        %ge3A_306 = arith.constant 2 : i32
        %ge3A_307 = arith.cmpi sge, %while3A_279, %ge3A_306 : i32
        %convert_element_type3A_308 = arith.extui %ge3A_307 : i1 to i32
        %cond3A_309 = arith.constant 0 : i32
        %cond3A_310 = arith.cmpi ne, %convert_element_type3A_308, %cond3A_309 : i32
        scf.if %cond3A_310 {
          %dma_wait3A_325 = arith.constant 0 : i32
          %dma_wait3A_326 = tpu.memref_slice %arg5[%dma_wait3A_325] : memref<25600000xf32, #tpu.memory_space<hbm>> -> memref<10240xf32, #tpu.memory_space<hbm>>
          %dma_wait3A_327 = arith.constant 0 : i32
          %dma_wait3A_328 = tpu.memref_slice %arg5[%dma_wait3A_327] : memref<25600000xf32, #tpu.memory_space<hbm>> -> memref<10240xf32, #tpu.memory_space<hbm>>
          tpu.wait_dma2 semaphore(%arg17 : memref<!tpu.dma_semaphore, #tpu.memory_space<semaphore_mem>>) src(%arg10 : memref<10240xf32, #tpu.memory_space<vmem>>) dst(%dma_wait3A_328 : memref<10240xf32, #tpu.memory_space<hbm>>)
          %dma_wait3A_329 = arith.constant 0 : i32
          %dma_wait3A_330 = tpu.memref_slice %arg5[%dma_wait3A_329] : memref<25600000xf32, #tpu.memory_space<hbm>> -> memref<10240xf32, #tpu.memory_space<hbm>>
          %dma_wait3A_331 = arith.constant 0 : i32
          %dma_wait3A_332 = tpu.memref_slice %arg5[%dma_wait3A_331] : memref<25600000xf32, #tpu.memory_space<hbm>> -> memref<10240xf32, #tpu.memory_space<hbm>>
          tpu.wait_dma2 semaphore(%arg17 : memref<!tpu.dma_semaphore, #tpu.memory_space<semaphore_mem>>) src(%arg11 : memref<10240xf32, #tpu.memory_space<vmem>>) dst(%dma_wait3A_332 : memref<10240xf32, #tpu.memory_space<hbm>>)
        } else {
        }
        %scan3A = arith.constant 0 : i32
        %scan3A_311 = arith.constant 0 : i32
        %scan3A_312 = arith.constant 80 : i32
        %scan3A_313 = arith.addi %scan3A_311, %scan3A_312 : i32
        %scan3A_314 = arith.constant 1 : i32
        scf.for %scan3A_325 = %scan3A_311 to %scan3A_313 step %scan3A_314  : i32 {
          %shift_right_arithmetic3A = arith.constant 3 : i32
          %shift_right_arithmetic3A_326 = arith.shrsi %scan3A_325, %shift_right_arithmetic3A : i32
          %mul3A_327 = arith.constant 384 : i32
          %mul3A_328 = arith.muli %shift_right_arithmetic3A_326, %mul3A_327 : i32
          %and3A_329 = arith.constant 7 : i32
          %and3A_330 = arith.andi %scan3A_325, %and3A_329 : i32
          %shift_left3A = arith.constant 4 : i32
          %shift_left3A_331 = arith.shli %and3A_330, %shift_left3A : i32
          %add3A_332 = arith.addi %mul3A_328, %shift_left3A_331 : i32
          %get3A_333 = arith.index_cast %add3A_332 : i32 to index
          %get3A_334 = tpu.vector_load %arg7[%get3A_333] {strides = array<i32>} : memref<3840xf32, #tpu.memory_space<vmem>>, vector<16xf32>,
          %add3A_335 = arith.constant 128 : i32
          %add3A_336 = arith.addi %add3A_332, %add3A_335 : i32
          %get3A_337 = arith.index_cast %add3A_336 : i32 to index
          %get3A_338 = tpu.vector_load %arg7[%get3A_337] {strides = array<i32>} : memref<3840xf32, #tpu.memory_space<vmem>>, vector<16xf32>,
          %add3A_339 = arith.constant 256 : i32
          %add3A_340 = arith.addi %add3A_332, %add3A_339 : i32
          %get3A_341 = arith.index_cast %add3A_340 : i32 to index
          %get3A_342 = tpu.vector_load %arg7[%get3A_341] {strides = array<i32>} : memref<3840xf32, #tpu.memory_space<vmem>>, vector<16xf32>,
          %mul3A_343 = arith.mulf %get3A_334, %get3A_334 : vector<16xf32>
          %mul3A_344 = arith.mulf %get3A_338, %get3A_338 : vector<16xf32>
          %mul3A_345 = arith.mulf %get3A_342, %get3A_342 : vector<16xf32>
          %mul3A_346 = arith.mulf %get3A_334, %get3A_338 : vector<16xf32>
          %mul3A_347 = arith.mulf %get3A_334, %get3A_342 : vector<16xf32>
          %mul3A_348 = arith.mulf %mul3A_346, %get3A_342 : vector<16xf32>
          %div3A_349 = arith.divf %mul3A_344, %mul3A_343 : vector<16xf32>
          %mul3A_350 = arith.mulf %get3A_334, %mul3A_346 : vector<16xf32>
          %mul3A_351 = arith.mulf %mul3A_346, %mul3A_346 : vector<16xf32>
          %mul3A_352 = arith.mulf %mul3A_343, %mul3A_346 : vector<16xf32>
          %mul3A_353 = arith.mulf %mul3A_346, %mul3A_351 : vector<16xf32>
          %mul3A_354 = arith.mulf %mul3A_350, %get3A_342 : vector<16xf32>
          %mul3A_355 = arith.mulf %mul3A_348, %get3A_342 : vector<16xf32>
          %mul3A_356 = arith.mulf %mul3A_345, %get3A_342 : vector<16xf32>
          %mul3A_357 = arith.mulf %mul3A_347, %get3A_342 : vector<16xf32>
          %mul3A_358 = arith.mulf %mul3A_343, %get3A_342 : vector<16xf32>
          %mul3A_359 = arith.mulf %mul3A_351, %get3A_342 : vector<16xf32>
          %mul3A_360 = arith.mulf %get3A_334, %mul3A_343 : vector<16xf32>
          %mul3A_361 = arith.mulf %get3A_334, %mul3A_351 : vector<16xf32>
          %mul3A_362 = arith.mulf %div3A_349, %get3A_342 : vector<16xf32>
          %mul3A_363 = arith.mulf %div3A_349, %mul3A_346 : vector<16xf32>
          %mul3A_364 = arith.mulf %div3A_349, %get3A_334 : vector<16xf32>
          %mul3A_365 = vector.broadcast %mul3A_37 : f32 to vector<16xf32>
          %mul3A_366 = arith.mulf %mul3A_365, %mul3A_346 : vector<16xf32>
          %mul3A_367 = vector.broadcast %mul3A_42 : f32 to vector<16xf32>
          %mul3A_368 = arith.mulf %mul3A_367, %get3A_342 : vector<16xf32>
          %mul3A_369 = vector.broadcast %mul3A_47 : f32 to vector<16xf32>
          %mul3A_370 = arith.mulf %mul3A_369, %get3A_334 : vector<16xf32>
          %mul3A_371 = vector.broadcast %mul3A_52 : f32 to vector<16xf32>
          %mul3A_372 = arith.mulf %mul3A_371, %mul3A_350 : vector<16xf32>
          %mul3A_373 = vector.broadcast %mul3A_57 : f32 to vector<16xf32>
          %mul3A_374 = arith.mulf %mul3A_373, %mul3A_348 : vector<16xf32>
          %mul3A_375 = vector.broadcast %mul3A_62 : f32 to vector<16xf32>
          %mul3A_376 = arith.mulf %mul3A_375, %mul3A_345 : vector<16xf32>
          %mul3A_377 = vector.broadcast %mul3A_72 : f32 to vector<16xf32>
          %mul3A_378 = arith.mulf %mul3A_377, %div3A_349 : vector<16xf32>
          %add3A_379 = arith.addf %mul3A_376, %mul3A_378 : vector<16xf32>
          %add3A_380 = arith.addf %add3A_379, %broadcast_in_dim3A_168 : vector<16xf32>
          %mul3A_381 = vector.broadcast %mul3A_77 : f32 to vector<16xf32>
          %mul3A_382 = arith.mulf %mul3A_381, %mul3A_347 : vector<16xf32>
          %mul3A_383 = vector.broadcast %mul3A_82 : f32 to vector<16xf32>
          %mul3A_384 = arith.mulf %mul3A_383, %mul3A_343 : vector<16xf32>
          %mul3A_385 = vector.broadcast %mul3A_87 : f32 to vector<16xf32>
          %mul3A_386 = arith.mulf %mul3A_385, %mul3A_351 : vector<16xf32>
          %add3A_387 = arith.addf %mul3A_384, %mul3A_386 : vector<16xf32>
          %mul3A_388 = vector.broadcast %mul3A_92 : f32 to vector<16xf32>
          %mul3A_389 = arith.mulf %mul3A_388, %mul3A_352 : vector<16xf32>
          %mul3A_390 = vector.broadcast %mul3A_97 : f32 to vector<16xf32>
          %mul3A_391 = arith.mulf %mul3A_390, %mul3A_353 : vector<16xf32>
          %add3A_392 = arith.addf %mul3A_389, %mul3A_391 : vector<16xf32>
          %mul3A_393 = vector.broadcast %mul3A_102 : f32 to vector<16xf32>
          %mul3A_394 = arith.mulf %mul3A_393, %mul3A_354 : vector<16xf32>
          %mul3A_395 = vector.broadcast %mul3A_107 : f32 to vector<16xf32>
          %mul3A_396 = arith.mulf %mul3A_395, %mul3A_355 : vector<16xf32>
          %mul3A_397 = vector.broadcast %mul3A_112 : f32 to vector<16xf32>
          %mul3A_398 = arith.mulf %mul3A_397, %mul3A_346 : vector<16xf32>
          %add3A_399 = arith.addf %mul3A_396, %mul3A_398 : vector<16xf32>
          %mul3A_400 = vector.broadcast %mul3A_117 : f32 to vector<16xf32>
          %mul3A_401 = arith.mulf %mul3A_400, %mul3A_363 : vector<16xf32>
          %add3A_402 = arith.addf %add3A_399, %mul3A_401 : vector<16xf32>
          %mul3A_403 = vector.broadcast %mul3A_122 : f32 to vector<16xf32>
          %mul3A_404 = arith.mulf %mul3A_403, %mul3A_356 : vector<16xf32>
          %mul3A_405 = vector.broadcast %mul3A_127 : f32 to vector<16xf32>
          %mul3A_406 = arith.mulf %mul3A_405, %get3A_342 : vector<16xf32>
          %add3A_407 = arith.addf %mul3A_404, %mul3A_406 : vector<16xf32>
          %mul3A_408 = vector.broadcast %mul3A_132 : f32 to vector<16xf32>
          %mul3A_409 = arith.mulf %mul3A_408, %mul3A_362 : vector<16xf32>
          %add3A_410 = arith.addf %add3A_407, %mul3A_409 : vector<16xf32>
          %mul3A_411 = vector.broadcast %mul3A_137 : f32 to vector<16xf32>
          %mul3A_412 = arith.mulf %mul3A_411, %mul3A_357 : vector<16xf32>
          %mul3A_413 = vector.broadcast %mul3A_142 : f32 to vector<16xf32>
          %mul3A_414 = arith.mulf %mul3A_413, %get3A_334 : vector<16xf32>
          %add3A_415 = arith.addf %mul3A_412, %mul3A_414 : vector<16xf32>
          %mul3A_416 = vector.broadcast %mul3A_147 : f32 to vector<16xf32>
          %mul3A_417 = arith.mulf %mul3A_416, %mul3A_364 : vector<16xf32>
          %add3A_418 = arith.addf %add3A_415, %mul3A_417 : vector<16xf32>
          %mul3A_419 = vector.broadcast %mul3A_152 : f32 to vector<16xf32>
          %mul3A_420 = arith.mulf %mul3A_419, %mul3A_358 : vector<16xf32>
          %mul3A_421 = vector.broadcast %mul3A_157 : f32 to vector<16xf32>
          %mul3A_422 = arith.mulf %mul3A_421, %mul3A_359 : vector<16xf32>
          %add3A_423 = arith.addf %mul3A_420, %mul3A_422 : vector<16xf32>
          %mul3A_424 = vector.broadcast %mul3A_162 : f32 to vector<16xf32>
          %mul3A_425 = arith.mulf %mul3A_424, %mul3A_360 : vector<16xf32>
          %mul3A_426 = vector.broadcast %mul3A_167 : f32 to vector<16xf32>
          %mul3A_427 = arith.mulf %mul3A_426, %mul3A_361 : vector<16xf32>
          %add3A_428 = arith.addf %mul3A_425, %mul3A_427 : vector<16xf32>
          %shift_right_arithmetic3A_429 = arith.constant 3 : i32
          %shift_right_arithmetic3A_430 = arith.shrsi %scan3A_325, %shift_right_arithmetic3A_429 : i32
          %shift_left3A_431 = arith.constant 10 : i32
          %shift_left3A_432 = arith.shli %shift_right_arithmetic3A_430, %shift_left3A_431 : i32
          %and3A_433 = arith.constant 7 : i32
          %and3A_434 = arith.andi %scan3A_325, %and3A_433 : i32
          %shift_left3A_435 = arith.constant 4 : i32
          %shift_left3A_436 = arith.shli %and3A_434, %shift_left3A_435 : i32
          %add3A_437 = arith.addi %shift_left3A_432, %shift_left3A_436 : i32
          %add3A_438 = arith.constant 0 : i32
          %add3A_439 = arith.addi %add3A_437, %add3A_438 : i32
          %swap3A = arith.index_cast %add3A_439 : i32 to index
          %swap3A_440 = tpu.vector_load %arg10[%swap3A] {strides = array<i32>} : memref<10240xf32, #tpu.memory_space<vmem>>, vector<16xf32>,
          tpu.vector_store %arg10[%swap3A], %broadcast_in_dim3A {strides = array<i32>} : memref<10240xf32, #tpu.memory_space<vmem>>, vector<16xf32>,
          %add3A_441 = arith.constant 0 : i32
          %add3A_442 = arith.addi %add3A_437, %add3A_441 : i32
          %swap3A_443 = arith.index_cast %add3A_442 : i32 to index
          %swap3A_444 = tpu.vector_load %arg11[%swap3A_443] {strides = array<i32>} : memref<10240xf32, #tpu.memory_space<vmem>>, vector<16xf32>,
          tpu.vector_store %arg11[%swap3A_443], %add3A_387 {strides = array<i32>} : memref<10240xf32, #tpu.memory_space<vmem>>, vector<16xf32>,
          %add3A_445 = arith.constant 128 : i32
          %add3A_446 = arith.addi %add3A_437, %add3A_445 : i32
          %swap3A_447 = arith.index_cast %add3A_446 : i32 to index
          %swap3A_448 = tpu.vector_load %arg10[%swap3A_447] {strides = array<i32>} : memref<10240xf32, #tpu.memory_space<vmem>>, vector<16xf32>,
          tpu.vector_store %arg10[%swap3A_447], %mul3A_366 {strides = array<i32>} : memref<10240xf32, #tpu.memory_space<vmem>>, vector<16xf32>,
          %add3A_449 = arith.constant 128 : i32
          %add3A_450 = arith.addi %add3A_437, %add3A_449 : i32
          %swap3A_451 = arith.index_cast %add3A_450 : i32 to index
          %swap3A_452 = tpu.vector_load %arg11[%swap3A_451] {strides = array<i32>} : memref<10240xf32, #tpu.memory_space<vmem>>, vector<16xf32>,
          tpu.vector_store %arg11[%swap3A_451], %add3A_392 {strides = array<i32>} : memref<10240xf32, #tpu.memory_space<vmem>>, vector<16xf32>,
          %add3A_453 = arith.constant 256 : i32
          %add3A_454 = arith.addi %add3A_437, %add3A_453 : i32
          %swap3A_455 = arith.index_cast %add3A_454 : i32 to index
          %swap3A_456 = tpu.vector_load %arg10[%swap3A_455] {strides = array<i32>} : memref<10240xf32, #tpu.memory_space<vmem>>, vector<16xf32>,
          tpu.vector_store %arg10[%swap3A_455], %mul3A_368 {strides = array<i32>} : memref<10240xf32, #tpu.memory_space<vmem>>, vector<16xf32>,
          %add3A_457 = arith.constant 256 : i32
          %add3A_458 = arith.addi %add3A_437, %add3A_457 : i32
          %swap3A_459 = arith.index_cast %add3A_458 : i32 to index
          %swap3A_460 = tpu.vector_load %arg11[%swap3A_459] {strides = array<i32>} : memref<10240xf32, #tpu.memory_space<vmem>>, vector<16xf32>,
          tpu.vector_store %arg11[%swap3A_459], %mul3A_394 {strides = array<i32>} : memref<10240xf32, #tpu.memory_space<vmem>>, vector<16xf32>,
          %add3A_461 = arith.constant 384 : i32
          %add3A_462 = arith.addi %add3A_437, %add3A_461 : i32
          %swap3A_463 = arith.index_cast %add3A_462 : i32 to index
          %swap3A_464 = tpu.vector_load %arg10[%swap3A_463] {strides = array<i32>} : memref<10240xf32, #tpu.memory_space<vmem>>, vector<16xf32>,
          tpu.vector_store %arg10[%swap3A_463], %mul3A_370 {strides = array<i32>} : memref<10240xf32, #tpu.memory_space<vmem>>, vector<16xf32>,
          %add3A_465 = arith.constant 384 : i32
          %add3A_466 = arith.addi %add3A_437, %add3A_465 : i32
          %swap3A_467 = arith.index_cast %add3A_466 : i32 to index
          %swap3A_468 = tpu.vector_load %arg11[%swap3A_467] {strides = array<i32>} : memref<10240xf32, #tpu.memory_space<vmem>>, vector<16xf32>,
          tpu.vector_store %arg11[%swap3A_467], %add3A_402 {strides = array<i32>} : memref<10240xf32, #tpu.memory_space<vmem>>, vector<16xf32>,
          %add3A_469 = arith.constant 512 : i32
          %add3A_470 = arith.addi %add3A_437, %add3A_469 : i32
          %swap3A_471 = arith.index_cast %add3A_470 : i32 to index
          %swap3A_472 = tpu.vector_load %arg10[%swap3A_471] {strides = array<i32>} : memref<10240xf32, #tpu.memory_space<vmem>>, vector<16xf32>,
          tpu.vector_store %arg10[%swap3A_471], %mul3A_372 {strides = array<i32>} : memref<10240xf32, #tpu.memory_space<vmem>>, vector<16xf32>,
          %add3A_473 = arith.constant 512 : i32
          %add3A_474 = arith.addi %add3A_437, %add3A_473 : i32
          %swap3A_475 = arith.index_cast %add3A_474 : i32 to index
          %swap3A_476 = tpu.vector_load %arg11[%swap3A_475] {strides = array<i32>} : memref<10240xf32, #tpu.memory_space<vmem>>, vector<16xf32>,
          tpu.vector_store %arg11[%swap3A_475], %add3A_410 {strides = array<i32>} : memref<10240xf32, #tpu.memory_space<vmem>>, vector<16xf32>,
          %add3A_477 = arith.constant 640 : i32
          %add3A_478 = arith.addi %add3A_437, %add3A_477 : i32
          %swap3A_479 = arith.index_cast %add3A_478 : i32 to index
          %swap3A_480 = tpu.vector_load %arg10[%swap3A_479] {strides = array<i32>} : memref<10240xf32, #tpu.memory_space<vmem>>, vector<16xf32>,
          tpu.vector_store %arg10[%swap3A_479], %mul3A_374 {strides = array<i32>} : memref<10240xf32, #tpu.memory_space<vmem>>, vector<16xf32>,
          %add3A_481 = arith.constant 640 : i32
          %add3A_482 = arith.addi %add3A_437, %add3A_481 : i32
          %swap3A_483 = arith.index_cast %add3A_482 : i32 to index
          %swap3A_484 = tpu.vector_load %arg11[%swap3A_483] {strides = array<i32>} : memref<10240xf32, #tpu.memory_space<vmem>>, vector<16xf32>,
          tpu.vector_store %arg11[%swap3A_483], %add3A_418 {strides = array<i32>} : memref<10240xf32, #tpu.memory_space<vmem>>, vector<16xf32>,
          %add3A_485 = arith.constant 768 : i32
          %add3A_486 = arith.addi %add3A_437, %add3A_485 : i32
          %swap3A_487 = arith.index_cast %add3A_486 : i32 to index
          %swap3A_488 = tpu.vector_load %arg10[%swap3A_487] {strides = array<i32>} : memref<10240xf32, #tpu.memory_space<vmem>>, vector<16xf32>,
          tpu.vector_store %arg10[%swap3A_487], %add3A_380 {strides = array<i32>} : memref<10240xf32, #tpu.memory_space<vmem>>, vector<16xf32>,
          %add3A_489 = arith.constant 768 : i32
          %add3A_490 = arith.addi %add3A_437, %add3A_489 : i32
          %swap3A_491 = arith.index_cast %add3A_490 : i32 to index
          %swap3A_492 = tpu.vector_load %arg11[%swap3A_491] {strides = array<i32>} : memref<10240xf32, #tpu.memory_space<vmem>>, vector<16xf32>,
          tpu.vector_store %arg11[%swap3A_491], %add3A_423 {strides = array<i32>} : memref<10240xf32, #tpu.memory_space<vmem>>, vector<16xf32>,
          %add3A_493 = arith.constant 896 : i32
          %add3A_494 = arith.addi %add3A_437, %add3A_493 : i32
          %swap3A_495 = arith.index_cast %add3A_494 : i32 to index
          %swap3A_496 = tpu.vector_load %arg10[%swap3A_495] {strides = array<i32>} : memref<10240xf32, #tpu.memory_space<vmem>>, vector<16xf32>,
          tpu.vector_store %arg10[%swap3A_495], %mul3A_382 {strides = array<i32>} : memref<10240xf32, #tpu.memory_space<vmem>>, vector<16xf32>,
          %add3A_497 = arith.constant 896 : i32
          %add3A_498 = arith.addi %add3A_437, %add3A_497 : i32
          %swap3A_499 = arith.index_cast %add3A_498 : i32 to index
          %swap3A_500 = tpu.vector_load %arg11[%swap3A_499] {strides = array<i32>} : memref<10240xf32, #tpu.memory_space<vmem>>, vector<16xf32>,
          tpu.vector_store %arg11[%swap3A_499], %add3A_428 {strides = array<i32>} : memref<10240xf32, #tpu.memory_space<vmem>>, vector<16xf32>,
        }
        %scan3A_315 = arith.constant 80 : i32
        %mul3A_316 = arith.constant 10240 : i32
        %mul3A_317 = arith.muli %add3A_296, %mul3A_316 : i32
        %dma_start3A = tpu.memref_slice %arg5[%mul3A_317] : memref<25600000xf32, #tpu.memory_space<hbm>> -> memref<10240xf32, #tpu.memory_space<hbm>>
        %dma_start3A_318 = tpu.memref_slice %arg5[%mul3A_317] : memref<25600000xf32, #tpu.memory_space<hbm>> -> memref<10240xf32, #tpu.memory_space<hbm>>
        tpu.enqueue_dma source(%arg10 : memref<10240xf32, #tpu.memory_space<vmem>>) target(%dma_start3A_318 : memref<10240xf32, #tpu.memory_space<hbm>>) target_semaphore(%arg17 : memref<!tpu.dma_semaphore, #tpu.memory_space<semaphore_mem>>)
        %mul3A_319 = arith.constant 10240 : i32
        %mul3A_320 = arith.muli %add3A_296, %mul3A_319 : i32
        %add3A_321 = arith.constant 12800000 : i32
        %add3A_322 = arith.addi %add3A_321, %mul3A_320 : i32
        %dma_start3A_323 = tpu.memref_slice %arg5[%add3A_322] : memref<25600000xf32, #tpu.memory_space<hbm>> -> memref<10240xf32, #tpu.memory_space<hbm>>
        %dma_start3A_324 = tpu.memref_slice %arg5[%add3A_322] : memref<25600000xf32, #tpu.memory_space<hbm>> -> memref<10240xf32, #tpu.memory_space<hbm>>
        tpu.enqueue_dma source(%arg11 : memref<10240xf32, #tpu.memory_space<vmem>>) target(%dma_start3A_324 : memref<10240xf32, #tpu.memory_space<hbm>>) target_semaphore(%arg17 : memref<!tpu.dma_semaphore, #tpu.memory_space<semaphore_mem>>)
      } else {
      }
    }
    %while3A_177 = arith.constant 1 : i32
    scf.for %while3A_279 = %while3A_175 to %while3A_171 step %while3A_177  : i32 {
      %and3A_280 = arith.constant 1 : i32
      %and3A_281 = arith.andi %while3A_279, %and3A_280 : i32
      %eq3A_282 = arith.constant 0 : i32
      %eq3A_283 = arith.cmpi eq, %and3A_281, %eq3A_282 : i32
      %convert_element_type3A_284 = arith.extui %eq3A_283 : i1 to i32
      %cond3A_285 = arith.constant 0 : i32
      %cond3A_286 = arith.cmpi ne, %convert_element_type3A_284, %cond3A_285 : i32
      scf.if %cond3A_286 {
        %mul3A_294 = arith.constant 32 : i32
        %mul3A_295 = arith.muli %while3A_279, %mul3A_294 : i32
        %add3A_296 = arith.addi %add3A, %mul3A_295 : i32
        %dma_wait3A = arith.constant 0 : i32
        %dma_wait3A_297 = tpu.memref_slice %arg2[%dma_wait3A] : memref<4800000xf32, #tpu.memory_space<hbm>> -> memref<3840xf32, #tpu.memory_space<hbm>>
        %dma_wait3A_298 = arith.constant 0 : i32
        %dma_wait3A_299 = tpu.memref_slice %arg2[%dma_wait3A_298] : memref<4800000xf32, #tpu.memory_space<hbm>> -> memref<3840xf32, #tpu.memory_space<hbm>>
        tpu.wait_dma2 semaphore(%arg14 : memref<!tpu.dma_semaphore, #tpu.memory_space<semaphore_mem>>) src(%dma_wait3A_299 : memref<3840xf32, #tpu.memory_space<hbm>>) dst(%arg6 : memref<3840xf32, #tpu.memory_space<vmem>>)
        %add3A_300 = arith.constant 1 : i32
        %add3A_301 = arith.addi %while3A_279, %add3A_300 : i32
        %lt3A_302 = arith.cmpi slt, %add3A_301, %select_n3A : i32
        %convert_element_type3A_303 = arith.extui %lt3A_302 : i1 to i32
        %cond3A_304 = arith.constant 0 : i32
        %cond3A_305 = arith.cmpi ne, %convert_element_type3A_303, %cond3A_304 : i32
        scf.if %cond3A_305 {
          %add3A_325 = arith.constant 1 : i32
          %add3A_326 = arith.addi %while3A_279, %add3A_325 : i32
          %mul3A_327 = arith.constant 32 : i32
          %mul3A_328 = arith.muli %add3A_326, %mul3A_327 : i32
          %add3A_329 = arith.addi %add3A, %mul3A_328 : i32
          %mul3A_330 = arith.constant 3840 : i32
          %mul3A_331 = arith.muli %add3A_329, %mul3A_330 : i32
          %dma_start3A_332 = tpu.memref_slice %arg2[%mul3A_331] : memref<4800000xf32, #tpu.memory_space<hbm>> -> memref<3840xf32, #tpu.memory_space<hbm>>
          %dma_start3A_333 = tpu.memref_slice %arg2[%mul3A_331] : memref<4800000xf32, #tpu.memory_space<hbm>> -> memref<3840xf32, #tpu.memory_space<hbm>>
          tpu.enqueue_dma source(%dma_start3A_333 : memref<3840xf32, #tpu.memory_space<hbm>>) target(%arg7 : memref<3840xf32, #tpu.memory_space<vmem>>) target_semaphore(%arg15 : memref<!tpu.dma_semaphore, #tpu.memory_space<semaphore_mem>>)
        } else {
        }
        %ge3A_306 = arith.constant 2 : i32
        %ge3A_307 = arith.cmpi sge, %while3A_279, %ge3A_306 : i32
        %convert_element_type3A_308 = arith.extui %ge3A_307 : i1 to i32
        %cond3A_309 = arith.constant 0 : i32
        %cond3A_310 = arith.cmpi ne, %convert_element_type3A_308, %cond3A_309 : i32
        scf.if %cond3A_310 {
          %dma_wait3A_325 = arith.constant 0 : i32
          %dma_wait3A_326 = tpu.memref_slice %arg5[%dma_wait3A_325] : memref<25600000xf32, #tpu.memory_space<hbm>> -> memref<10240xf32, #tpu.memory_space<hbm>>
          %dma_wait3A_327 = arith.constant 0 : i32
          %dma_wait3A_328 = tpu.memref_slice %arg5[%dma_wait3A_327] : memref<25600000xf32, #tpu.memory_space<hbm>> -> memref<10240xf32, #tpu.memory_space<hbm>>
          tpu.wait_dma2 semaphore(%arg16 : memref<!tpu.dma_semaphore, #tpu.memory_space<semaphore_mem>>) src(%arg8 : memref<10240xf32, #tpu.memory_space<vmem>>) dst(%dma_wait3A_328 : memref<10240xf32, #tpu.memory_space<hbm>>)
          %dma_wait3A_329 = arith.constant 0 : i32
          %dma_wait3A_330 = tpu.memref_slice %arg5[%dma_wait3A_329] : memref<25600000xf32, #tpu.memory_space<hbm>> -> memref<10240xf32, #tpu.memory_space<hbm>>
          %dma_wait3A_331 = arith.constant 0 : i32
          %dma_wait3A_332 = tpu.memref_slice %arg5[%dma_wait3A_331] : memref<25600000xf32, #tpu.memory_space<hbm>> -> memref<10240xf32, #tpu.memory_space<hbm>>
          tpu.wait_dma2 semaphore(%arg16 : memref<!tpu.dma_semaphore, #tpu.memory_space<semaphore_mem>>) src(%arg9 : memref<10240xf32, #tpu.memory_space<vmem>>) dst(%dma_wait3A_332 : memref<10240xf32, #tpu.memory_space<hbm>>)
        } else {
        }
        %scan3A = arith.constant 0 : i32
        %scan3A_311 = arith.constant 0 : i32
        %scan3A_312 = arith.constant 80 : i32
        %scan3A_313 = arith.addi %scan3A_311, %scan3A_312 : i32
        %scan3A_314 = arith.constant 1 : i32
        scf.for %scan3A_325 = %scan3A_311 to %scan3A_313 step %scan3A_314  : i32 {
          %shift_right_arithmetic3A = arith.constant 3 : i32
          %shift_right_arithmetic3A_326 = arith.shrsi %scan3A_325, %shift_right_arithmetic3A : i32
          %mul3A_327 = arith.constant 384 : i32
          %mul3A_328 = arith.muli %shift_right_arithmetic3A_326, %mul3A_327 : i32
          %and3A_329 = arith.constant 7 : i32
          %and3A_330 = arith.andi %scan3A_325, %and3A_329 : i32
          %shift_left3A = arith.constant 4 : i32
          %shift_left3A_331 = arith.shli %and3A_330, %shift_left3A : i32
          %add3A_332 = arith.addi %mul3A_328, %shift_left3A_331 : i32
          %get3A_333 = arith.index_cast %add3A_332 : i32 to index
          %get3A_334 = tpu.vector_load %arg6[%get3A_333] {strides = array<i32>} : memref<3840xf32, #tpu.memory_space<vmem>>, vector<16xf32>,
          %add3A_335 = arith.constant 128 : i32
          %add3A_336 = arith.addi %add3A_332, %add3A_335 : i32
          %get3A_337 = arith.index_cast %add3A_336 : i32 to index
          %get3A_338 = tpu.vector_load %arg6[%get3A_337] {strides = array<i32>} : memref<3840xf32, #tpu.memory_space<vmem>>, vector<16xf32>,
          %add3A_339 = arith.constant 256 : i32
          %add3A_340 = arith.addi %add3A_332, %add3A_339 : i32
          %get3A_341 = arith.index_cast %add3A_340 : i32 to index
          %get3A_342 = tpu.vector_load %arg6[%get3A_341] {strides = array<i32>} : memref<3840xf32, #tpu.memory_space<vmem>>, vector<16xf32>,
          %mul3A_343 = arith.mulf %get3A_334, %get3A_334 : vector<16xf32>
          %mul3A_344 = arith.mulf %get3A_338, %get3A_338 : vector<16xf32>
          %mul3A_345 = arith.mulf %get3A_342, %get3A_342 : vector<16xf32>
          %mul3A_346 = arith.mulf %get3A_334, %get3A_338 : vector<16xf32>
          %mul3A_347 = arith.mulf %get3A_334, %get3A_342 : vector<16xf32>
          %mul3A_348 = arith.mulf %mul3A_346, %get3A_342 : vector<16xf32>
          %div3A_349 = arith.divf %mul3A_344, %mul3A_343 : vector<16xf32>
          %mul3A_350 = arith.mulf %get3A_334, %mul3A_346 : vector<16xf32>
          %mul3A_351 = arith.mulf %mul3A_346, %mul3A_346 : vector<16xf32>
          %mul3A_352 = arith.mulf %mul3A_343, %mul3A_346 : vector<16xf32>
          %mul3A_353 = arith.mulf %mul3A_346, %mul3A_351 : vector<16xf32>
          %mul3A_354 = arith.mulf %mul3A_350, %get3A_342 : vector<16xf32>
          %mul3A_355 = arith.mulf %mul3A_348, %get3A_342 : vector<16xf32>
          %mul3A_356 = arith.mulf %mul3A_345, %get3A_342 : vector<16xf32>
          %mul3A_357 = arith.mulf %mul3A_347, %get3A_342 : vector<16xf32>
          %mul3A_358 = arith.mulf %mul3A_343, %get3A_342 : vector<16xf32>
          %mul3A_359 = arith.mulf %mul3A_351, %get3A_342 : vector<16xf32>
          %mul3A_360 = arith.mulf %get3A_334, %mul3A_343 : vector<16xf32>
          %mul3A_361 = arith.mulf %get3A_334, %mul3A_351 : vector<16xf32>
          %mul3A_362 = arith.mulf %div3A_349, %get3A_342 : vector<16xf32>
          %mul3A_363 = arith.mulf %div3A_349, %mul3A_346 : vector<16xf32>
          %mul3A_364 = arith.mulf %div3A_349, %get3A_334 : vector<16xf32>
          %mul3A_365 = vector.broadcast %mul3A_37 : f32 to vector<16xf32>
          %mul3A_366 = arith.mulf %mul3A_365, %mul3A_346 : vector<16xf32>
          %mul3A_367 = vector.broadcast %mul3A_42 : f32 to vector<16xf32>
          %mul3A_368 = arith.mulf %mul3A_367, %get3A_342 : vector<16xf32>
          %mul3A_369 = vector.broadcast %mul3A_47 : f32 to vector<16xf32>
          %mul3A_370 = arith.mulf %mul3A_369, %get3A_334 : vector<16xf32>
          %mul3A_371 = vector.broadcast %mul3A_52 : f32 to vector<16xf32>
          %mul3A_372 = arith.mulf %mul3A_371, %mul3A_350 : vector<16xf32>
          %mul3A_373 = vector.broadcast %mul3A_57 : f32 to vector<16xf32>
          %mul3A_374 = arith.mulf %mul3A_373, %mul3A_348 : vector<16xf32>
          %mul3A_375 = vector.broadcast %mul3A_62 : f32 to vector<16xf32>
          %mul3A_376 = arith.mulf %mul3A_375, %mul3A_345 : vector<16xf32>
          %mul3A_377 = vector.broadcast %mul3A_72 : f32 to vector<16xf32>
          %mul3A_378 = arith.mulf %mul3A_377, %div3A_349 : vector<16xf32>
          %add3A_379 = arith.addf %mul3A_376, %mul3A_378 : vector<16xf32>
          %add3A_380 = arith.addf %add3A_379, %broadcast_in_dim3A_168 : vector<16xf32>
          %mul3A_381 = vector.broadcast %mul3A_77 : f32 to vector<16xf32>
          %mul3A_382 = arith.mulf %mul3A_381, %mul3A_347 : vector<16xf32>
          %mul3A_383 = vector.broadcast %mul3A_82 : f32 to vector<16xf32>
          %mul3A_384 = arith.mulf %mul3A_383, %mul3A_343 : vector<16xf32>
          %mul3A_385 = vector.broadcast %mul3A_87 : f32 to vector<16xf32>
          %mul3A_386 = arith.mulf %mul3A_385, %mul3A_351 : vector<16xf32>
          %add3A_387 = arith.addf %mul3A_384, %mul3A_386 : vector<16xf32>
          %mul3A_388 = vector.broadcast %mul3A_92 : f32 to vector<16xf32>
          %mul3A_389 = arith.mulf %mul3A_388, %mul3A_352 : vector<16xf32>
          %mul3A_390 = vector.broadcast %mul3A_97 : f32 to vector<16xf32>
          %mul3A_391 = arith.mulf %mul3A_390, %mul3A_353 : vector<16xf32>
          %add3A_392 = arith.addf %mul3A_389, %mul3A_391 : vector<16xf32>
          %mul3A_393 = vector.broadcast %mul3A_102 : f32 to vector<16xf32>
          %mul3A_394 = arith.mulf %mul3A_393, %mul3A_354 : vector<16xf32>
          %mul3A_395 = vector.broadcast %mul3A_107 : f32 to vector<16xf32>
          %mul3A_396 = arith.mulf %mul3A_395, %mul3A_355 : vector<16xf32>
          %mul3A_397 = vector.broadcast %mul3A_112 : f32 to vector<16xf32>
          %mul3A_398 = arith.mulf %mul3A_397, %mul3A_346 : vector<16xf32>
          %add3A_399 = arith.addf %mul3A_396, %mul3A_398 : vector<16xf32>
          %mul3A_400 = vector.broadcast %mul3A_117 : f32 to vector<16xf32>
          %mul3A_401 = arith.mulf %mul3A_400, %mul3A_363 : vector<16xf32>
          %add3A_402 = arith.addf %add3A_399, %mul3A_401 : vector<16xf32>
          %mul3A_403 = vector.broadcast %mul3A_122 : f32 to vector<16xf32>
          %mul3A_404 = arith.mulf %mul3A_403, %mul3A_356 : vector<16xf32>
          %mul3A_405 = vector.broadcast %mul3A_127 : f32 to vector<16xf32>
          %mul3A_406 = arith.mulf %mul3A_405, %get3A_342 : vector<16xf32>
          %add3A_407 = arith.addf %mul3A_404, %mul3A_406 : vector<16xf32>
          %mul3A_408 = vector.broadcast %mul3A_132 : f32 to vector<16xf32>
          %mul3A_409 = arith.mulf %mul3A_408, %mul3A_362 : vector<16xf32>
          %add3A_410 = arith.addf %add3A_407, %mul3A_409 : vector<16xf32>
          %mul3A_411 = vector.broadcast %mul3A_137 : f32 to vector<16xf32>
          %mul3A_412 = arith.mulf %mul3A_411, %mul3A_357 : vector<16xf32>
          %mul3A_413 = vector.broadcast %mul3A_142 : f32 to vector<16xf32>
          %mul3A_414 = arith.mulf %mul3A_413, %get3A_334 : vector<16xf32>
          %add3A_415 = arith.addf %mul3A_412, %mul3A_414 : vector<16xf32>
          %mul3A_416 = vector.broadcast %mul3A_147 : f32 to vector<16xf32>
          %mul3A_417 = arith.mulf %mul3A_416, %mul3A_364 : vector<16xf32>
          %add3A_418 = arith.addf %add3A_415, %mul3A_417 : vector<16xf32>
          %mul3A_419 = vector.broadcast %mul3A_152 : f32 to vector<16xf32>
          %mul3A_420 = arith.mulf %mul3A_419, %mul3A_358 : vector<16xf32>
          %mul3A_421 = vector.broadcast %mul3A_157 : f32 to vector<16xf32>
          %mul3A_422 = arith.mulf %mul3A_421, %mul3A_359 : vector<16xf32>
          %add3A_423 = arith.addf %mul3A_420, %mul3A_422 : vector<16xf32>
          %mul3A_424 = vector.broadcast %mul3A_162 : f32 to vector<16xf32>
          %mul3A_425 = arith.mulf %mul3A_424, %mul3A_360 : vector<16xf32>
          %mul3A_426 = vector.broadcast %mul3A_167 : f32 to vector<16xf32>
          %mul3A_427 = arith.mulf %mul3A_426, %mul3A_361 : vector<16xf32>
          %add3A_428 = arith.addf %mul3A_425, %mul3A_427 : vector<16xf32>
          %shift_right_arithmetic3A_429 = arith.constant 3 : i32
          %shift_right_arithmetic3A_430 = arith.shrsi %scan3A_325, %shift_right_arithmetic3A_429 : i32
          %shift_left3A_431 = arith.constant 10 : i32
          %shift_left3A_432 = arith.shli %shift_right_arithmetic3A_430, %shift_left3A_431 : i32
          %and3A_433 = arith.constant 7 : i32
          %and3A_434 = arith.andi %scan3A_325, %and3A_433 : i32
          %shift_left3A_435 = arith.constant 4 : i32
          %shift_left3A_436 = arith.shli %and3A_434, %shift_left3A_435 : i32
          %add3A_437 = arith.addi %shift_left3A_432, %shift_left3A_436 : i32
          %add3A_438 = arith.constant 0 : i32
          %add3A_439 = arith.addi %add3A_437, %add3A_438 : i32
          %swap3A = arith.index_cast %add3A_439 : i32 to index
          %swap3A_440 = tpu.vector_load %arg8[%swap3A] {strides = array<i32>} : memref<10240xf32, #tpu.memory_space<vmem>>, vector<16xf32>,
          tpu.vector_store %arg8[%swap3A], %broadcast_in_dim3A {strides = array<i32>} : memref<10240xf32, #tpu.memory_space<vmem>>, vector<16xf32>,
          %add3A_441 = arith.constant 0 : i32
          %add3A_442 = arith.addi %add3A_437, %add3A_441 : i32
          %swap3A_443 = arith.index_cast %add3A_442 : i32 to index
          %swap3A_444 = tpu.vector_load %arg9[%swap3A_443] {strides = array<i32>} : memref<10240xf32, #tpu.memory_space<vmem>>, vector<16xf32>,
          tpu.vector_store %arg9[%swap3A_443], %add3A_387 {strides = array<i32>} : memref<10240xf32, #tpu.memory_space<vmem>>, vector<16xf32>,
          %add3A_445 = arith.constant 128 : i32
          %add3A_446 = arith.addi %add3A_437, %add3A_445 : i32
          %swap3A_447 = arith.index_cast %add3A_446 : i32 to index
          %swap3A_448 = tpu.vector_load %arg8[%swap3A_447] {strides = array<i32>} : memref<10240xf32, #tpu.memory_space<vmem>>, vector<16xf32>,
          tpu.vector_store %arg8[%swap3A_447], %mul3A_366 {strides = array<i32>} : memref<10240xf32, #tpu.memory_space<vmem>>, vector<16xf32>,
          %add3A_449 = arith.constant 128 : i32
          %add3A_450 = arith.addi %add3A_437, %add3A_449 : i32
          %swap3A_451 = arith.index_cast %add3A_450 : i32 to index
          %swap3A_452 = tpu.vector_load %arg9[%swap3A_451] {strides = array<i32>} : memref<10240xf32, #tpu.memory_space<vmem>>, vector<16xf32>,
          tpu.vector_store %arg9[%swap3A_451], %add3A_392 {strides = array<i32>} : memref<10240xf32, #tpu.memory_space<vmem>>, vector<16xf32>,
          %add3A_453 = arith.constant 256 : i32
          %add3A_454 = arith.addi %add3A_437, %add3A_453 : i32
          %swap3A_455 = arith.index_cast %add3A_454 : i32 to index
          %swap3A_456 = tpu.vector_load %arg8[%swap3A_455] {strides = array<i32>} : memref<10240xf32, #tpu.memory_space<vmem>>, vector<16xf32>,
          tpu.vector_store %arg8[%swap3A_455], %mul3A_368 {strides = array<i32>} : memref<10240xf32, #tpu.memory_space<vmem>>, vector<16xf32>,
          %add3A_457 = arith.constant 256 : i32
          %add3A_458 = arith.addi %add3A_437, %add3A_457 : i32
          %swap3A_459 = arith.index_cast %add3A_458 : i32 to index
          %swap3A_460 = tpu.vector_load %arg9[%swap3A_459] {strides = array<i32>} : memref<10240xf32, #tpu.memory_space<vmem>>, vector<16xf32>,
          tpu.vector_store %arg9[%swap3A_459], %mul3A_394 {strides = array<i32>} : memref<10240xf32, #tpu.memory_space<vmem>>, vector<16xf32>,
          %add3A_461 = arith.constant 384 : i32
          %add3A_462 = arith.addi %add3A_437, %add3A_461 : i32
          %swap3A_463 = arith.index_cast %add3A_462 : i32 to index
          %swap3A_464 = tpu.vector_load %arg8[%swap3A_463] {strides = array<i32>} : memref<10240xf32, #tpu.memory_space<vmem>>, vector<16xf32>,
          tpu.vector_store %arg8[%swap3A_463], %mul3A_370 {strides = array<i32>} : memref<10240xf32, #tpu.memory_space<vmem>>, vector<16xf32>,
          %add3A_465 = arith.constant 384 : i32
          %add3A_466 = arith.addi %add3A_437, %add3A_465 : i32
          %swap3A_467 = arith.index_cast %add3A_466 : i32 to index
          %swap3A_468 = tpu.vector_load %arg9[%swap3A_467] {strides = array<i32>} : memref<10240xf32, #tpu.memory_space<vmem>>, vector<16xf32>,
          tpu.vector_store %arg9[%swap3A_467], %add3A_402 {strides = array<i32>} : memref<10240xf32, #tpu.memory_space<vmem>>, vector<16xf32>,
          %add3A_469 = arith.constant 512 : i32
          %add3A_470 = arith.addi %add3A_437, %add3A_469 : i32
          %swap3A_471 = arith.index_cast %add3A_470 : i32 to index
          %swap3A_472 = tpu.vector_load %arg8[%swap3A_471] {strides = array<i32>} : memref<10240xf32, #tpu.memory_space<vmem>>, vector<16xf32>,
          tpu.vector_store %arg8[%swap3A_471], %mul3A_372 {strides = array<i32>} : memref<10240xf32, #tpu.memory_space<vmem>>, vector<16xf32>,
          %add3A_473 = arith.constant 512 : i32
          %add3A_474 = arith.addi %add3A_437, %add3A_473 : i32
          %swap3A_475 = arith.index_cast %add3A_474 : i32 to index
          %swap3A_476 = tpu.vector_load %arg9[%swap3A_475] {strides = array<i32>} : memref<10240xf32, #tpu.memory_space<vmem>>, vector<16xf32>,
          tpu.vector_store %arg9[%swap3A_475], %add3A_410 {strides = array<i32>} : memref<10240xf32, #tpu.memory_space<vmem>>, vector<16xf32>,
          %add3A_477 = arith.constant 640 : i32
          %add3A_478 = arith.addi %add3A_437, %add3A_477 : i32
          %swap3A_479 = arith.index_cast %add3A_478 : i32 to index
          %swap3A_480 = tpu.vector_load %arg8[%swap3A_479] {strides = array<i32>} : memref<10240xf32, #tpu.memory_space<vmem>>, vector<16xf32>,
          tpu.vector_store %arg8[%swap3A_479], %mul3A_374 {strides = array<i32>} : memref<10240xf32, #tpu.memory_space<vmem>>, vector<16xf32>,
          %add3A_481 = arith.constant 640 : i32
          %add3A_482 = arith.addi %add3A_437, %add3A_481 : i32
          %swap3A_483 = arith.index_cast %add3A_482 : i32 to index
          %swap3A_484 = tpu.vector_load %arg9[%swap3A_483] {strides = array<i32>} : memref<10240xf32, #tpu.memory_space<vmem>>, vector<16xf32>,
          tpu.vector_store %arg9[%swap3A_483], %add3A_418 {strides = array<i32>} : memref<10240xf32, #tpu.memory_space<vmem>>, vector<16xf32>,
          %add3A_485 = arith.constant 768 : i32
          %add3A_486 = arith.addi %add3A_437, %add3A_485 : i32
          %swap3A_487 = arith.index_cast %add3A_486 : i32 to index
          %swap3A_488 = tpu.vector_load %arg8[%swap3A_487] {strides = array<i32>} : memref<10240xf32, #tpu.memory_space<vmem>>, vector<16xf32>,
          tpu.vector_store %arg8[%swap3A_487], %add3A_380 {strides = array<i32>} : memref<10240xf32, #tpu.memory_space<vmem>>, vector<16xf32>,
          %add3A_489 = arith.constant 768 : i32
          %add3A_490 = arith.addi %add3A_437, %add3A_489 : i32
          %swap3A_491 = arith.index_cast %add3A_490 : i32 to index
          %swap3A_492 = tpu.vector_load %arg9[%swap3A_491] {strides = array<i32>} : memref<10240xf32, #tpu.memory_space<vmem>>, vector<16xf32>,
          tpu.vector_store %arg9[%swap3A_491], %add3A_423 {strides = array<i32>} : memref<10240xf32, #tpu.memory_space<vmem>>, vector<16xf32>,
          %add3A_493 = arith.constant 896 : i32
          %add3A_494 = arith.addi %add3A_437, %add3A_493 : i32
          %swap3A_495 = arith.index_cast %add3A_494 : i32 to index
          %swap3A_496 = tpu.vector_load %arg8[%swap3A_495] {strides = array<i32>} : memref<10240xf32, #tpu.memory_space<vmem>>, vector<16xf32>,
          tpu.vector_store %arg8[%swap3A_495], %mul3A_382 {strides = array<i32>} : memref<10240xf32, #tpu.memory_space<vmem>>, vector<16xf32>,
          %add3A_497 = arith.constant 896 : i32
          %add3A_498 = arith.addi %add3A_437, %add3A_497 : i32
          %swap3A_499 = arith.index_cast %add3A_498 : i32 to index
          %swap3A_500 = tpu.vector_load %arg9[%swap3A_499] {strides = array<i32>} : memref<10240xf32, #tpu.memory_space<vmem>>, vector<16xf32>,
          tpu.vector_store %arg9[%swap3A_499], %add3A_428 {strides = array<i32>} : memref<10240xf32, #tpu.memory_space<vmem>>, vector<16xf32>,
        }
        %scan3A_315 = arith.constant 80 : i32
        %mul3A_316 = arith.constant 10240 : i32
        %mul3A_317 = arith.muli %add3A_296, %mul3A_316 : i32
        %dma_start3A = tpu.memref_slice %arg5[%mul3A_317] : memref<25600000xf32, #tpu.memory_space<hbm>> -> memref<10240xf32, #tpu.memory_space<hbm>>
        %dma_start3A_318 = tpu.memref_slice %arg5[%mul3A_317] : memref<25600000xf32, #tpu.memory_space<hbm>> -> memref<10240xf32, #tpu.memory_space<hbm>>
        tpu.enqueue_dma source(%arg8 : memref<10240xf32, #tpu.memory_space<vmem>>) target(%dma_start3A_318 : memref<10240xf32, #tpu.memory_space<hbm>>) target_semaphore(%arg16 : memref<!tpu.dma_semaphore, #tpu.memory_space<semaphore_mem>>)
        %mul3A_319 = arith.constant 10240 : i32
        %mul3A_320 = arith.muli %add3A_296, %mul3A_319 : i32
        %add3A_321 = arith.constant 12800000 : i32
        %add3A_322 = arith.addi %add3A_321, %mul3A_320 : i32
        %dma_start3A_323 = tpu.memref_slice %arg5[%add3A_322] : memref<25600000xf32, #tpu.memory_space<hbm>> -> memref<10240xf32, #tpu.memory_space<hbm>>
        %dma_start3A_324 = tpu.memref_slice %arg5[%add3A_322] : memref<25600000xf32, #tpu.memory_space<hbm>> -> memref<10240xf32, #tpu.memory_space<hbm>>
        tpu.enqueue_dma source(%arg9 : memref<10240xf32, #tpu.memory_space<vmem>>) target(%dma_start3A_324 : memref<10240xf32, #tpu.memory_space<hbm>>) target_semaphore(%arg16 : memref<!tpu.dma_semaphore, #tpu.memory_space<semaphore_mem>>)
      } else {
      }
      %and3A_287 = arith.constant 1 : i32
      %and3A_288 = arith.andi %while3A_279, %and3A_287 : i32
      %eq3A_289 = arith.constant 1 : i32
      %eq3A_290 = arith.cmpi eq, %and3A_288, %eq3A_289 : i32
      %convert_element_type3A_291 = arith.extui %eq3A_290 : i1 to i32
      %cond3A_292 = arith.constant 0 : i32
      %cond3A_293 = arith.cmpi ne, %convert_element_type3A_291, %cond3A_292 : i32
      scf.if %cond3A_293 {
        %mul3A_294 = arith.constant 32 : i32
        %mul3A_295 = arith.muli %while3A_279, %mul3A_294 : i32
        %add3A_296 = arith.addi %add3A, %mul3A_295 : i32
        %dma_wait3A = arith.constant 0 : i32
        %dma_wait3A_297 = tpu.memref_slice %arg2[%dma_wait3A] : memref<4800000xf32, #tpu.memory_space<hbm>> -> memref<3840xf32, #tpu.memory_space<hbm>>
        %dma_wait3A_298 = arith.constant 0 : i32
        %dma_wait3A_299 = tpu.memref_slice %arg2[%dma_wait3A_298] : memref<4800000xf32, #tpu.memory_space<hbm>> -> memref<3840xf32, #tpu.memory_space<hbm>>
        tpu.wait_dma2 semaphore(%arg15 : memref<!tpu.dma_semaphore, #tpu.memory_space<semaphore_mem>>) src(%dma_wait3A_299 : memref<3840xf32, #tpu.memory_space<hbm>>) dst(%arg7 : memref<3840xf32, #tpu.memory_space<vmem>>)
        %add3A_300 = arith.constant 1 : i32
        %add3A_301 = arith.addi %while3A_279, %add3A_300 : i32
        %lt3A_302 = arith.cmpi slt, %add3A_301, %select_n3A : i32
        %convert_element_type3A_303 = arith.extui %lt3A_302 : i1 to i32
        %cond3A_304 = arith.constant 0 : i32
        %cond3A_305 = arith.cmpi ne, %convert_element_type3A_303, %cond3A_304 : i32
        scf.if %cond3A_305 {
          %add3A_325 = arith.constant 1 : i32
          %add3A_326 = arith.addi %while3A_279, %add3A_325 : i32
          %mul3A_327 = arith.constant 32 : i32
          %mul3A_328 = arith.muli %add3A_326, %mul3A_327 : i32
          %add3A_329 = arith.addi %add3A, %mul3A_328 : i32
          %mul3A_330 = arith.constant 3840 : i32
          %mul3A_331 = arith.muli %add3A_329, %mul3A_330 : i32
          %dma_start3A_332 = tpu.memref_slice %arg2[%mul3A_331] : memref<4800000xf32, #tpu.memory_space<hbm>> -> memref<3840xf32, #tpu.memory_space<hbm>>
          %dma_start3A_333 = tpu.memref_slice %arg2[%mul3A_331] : memref<4800000xf32, #tpu.memory_space<hbm>> -> memref<3840xf32, #tpu.memory_space<hbm>>
          tpu.enqueue_dma source(%dma_start3A_333 : memref<3840xf32, #tpu.memory_space<hbm>>) target(%arg6 : memref<3840xf32, #tpu.memory_space<vmem>>) target_semaphore(%arg14 : memref<!tpu.dma_semaphore, #tpu.memory_space<semaphore_mem>>)
        } else {
        }
        %ge3A_306 = arith.constant 2 : i32
        %ge3A_307 = arith.cmpi sge, %while3A_279, %ge3A_306 : i32
        %convert_element_type3A_308 = arith.extui %ge3A_307 : i1 to i32
        %cond3A_309 = arith.constant 0 : i32
        %cond3A_310 = arith.cmpi ne, %convert_element_type3A_308, %cond3A_309 : i32
        scf.if %cond3A_310 {
          %dma_wait3A_325 = arith.constant 0 : i32
          %dma_wait3A_326 = tpu.memref_slice %arg5[%dma_wait3A_325] : memref<25600000xf32, #tpu.memory_space<hbm>> -> memref<10240xf32, #tpu.memory_space<hbm>>
          %dma_wait3A_327 = arith.constant 0 : i32
          %dma_wait3A_328 = tpu.memref_slice %arg5[%dma_wait3A_327] : memref<25600000xf32, #tpu.memory_space<hbm>> -> memref<10240xf32, #tpu.memory_space<hbm>>
          tpu.wait_dma2 semaphore(%arg17 : memref<!tpu.dma_semaphore, #tpu.memory_space<semaphore_mem>>) src(%arg10 : memref<10240xf32, #tpu.memory_space<vmem>>) dst(%dma_wait3A_328 : memref<10240xf32, #tpu.memory_space<hbm>>)
          %dma_wait3A_329 = arith.constant 0 : i32
          %dma_wait3A_330 = tpu.memref_slice %arg5[%dma_wait3A_329] : memref<25600000xf32, #tpu.memory_space<hbm>> -> memref<10240xf32, #tpu.memory_space<hbm>>
          %dma_wait3A_331 = arith.constant 0 : i32
          %dma_wait3A_332 = tpu.memref_slice %arg5[%dma_wait3A_331] : memref<25600000xf32, #tpu.memory_space<hbm>> -> memref<10240xf32, #tpu.memory_space<hbm>>
          tpu.wait_dma2 semaphore(%arg17 : memref<!tpu.dma_semaphore, #tpu.memory_space<semaphore_mem>>) src(%arg11 : memref<10240xf32, #tpu.memory_space<vmem>>) dst(%dma_wait3A_332 : memref<10240xf32, #tpu.memory_space<hbm>>)
        } else {
        }
        %scan3A = arith.constant 0 : i32
        %scan3A_311 = arith.constant 0 : i32
        %scan3A_312 = arith.constant 80 : i32
        %scan3A_313 = arith.addi %scan3A_311, %scan3A_312 : i32
        %scan3A_314 = arith.constant 1 : i32
        scf.for %scan3A_325 = %scan3A_311 to %scan3A_313 step %scan3A_314  : i32 {
          %shift_right_arithmetic3A = arith.constant 3 : i32
          %shift_right_arithmetic3A_326 = arith.shrsi %scan3A_325, %shift_right_arithmetic3A : i32
          %mul3A_327 = arith.constant 384 : i32
          %mul3A_328 = arith.muli %shift_right_arithmetic3A_326, %mul3A_327 : i32
          %and3A_329 = arith.constant 7 : i32
          %and3A_330 = arith.andi %scan3A_325, %and3A_329 : i32
          %shift_left3A = arith.constant 4 : i32
          %shift_left3A_331 = arith.shli %and3A_330, %shift_left3A : i32
          %add3A_332 = arith.addi %mul3A_328, %shift_left3A_331 : i32
          %get3A_333 = arith.index_cast %add3A_332 : i32 to index
          %get3A_334 = tpu.vector_load %arg7[%get3A_333] {strides = array<i32>} : memref<3840xf32, #tpu.memory_space<vmem>>, vector<16xf32>,
          %add3A_335 = arith.constant 128 : i32
          %add3A_336 = arith.addi %add3A_332, %add3A_335 : i32
          %get3A_337 = arith.index_cast %add3A_336 : i32 to index
          %get3A_338 = tpu.vector_load %arg7[%get3A_337] {strides = array<i32>} : memref<3840xf32, #tpu.memory_space<vmem>>, vector<16xf32>,
          %add3A_339 = arith.constant 256 : i32
          %add3A_340 = arith.addi %add3A_332, %add3A_339 : i32
          %get3A_341 = arith.index_cast %add3A_340 : i32 to index
          %get3A_342 = tpu.vector_load %arg7[%get3A_341] {strides = array<i32>} : memref<3840xf32, #tpu.memory_space<vmem>>, vector<16xf32>,
          %mul3A_343 = arith.mulf %get3A_334, %get3A_334 : vector<16xf32>
          %mul3A_344 = arith.mulf %get3A_338, %get3A_338 : vector<16xf32>
          %mul3A_345 = arith.mulf %get3A_342, %get3A_342 : vector<16xf32>
          %mul3A_346 = arith.mulf %get3A_334, %get3A_338 : vector<16xf32>
          %mul3A_347 = arith.mulf %get3A_334, %get3A_342 : vector<16xf32>
          %mul3A_348 = arith.mulf %mul3A_346, %get3A_342 : vector<16xf32>
          %div3A_349 = arith.divf %mul3A_344, %mul3A_343 : vector<16xf32>
          %mul3A_350 = arith.mulf %get3A_334, %mul3A_346 : vector<16xf32>
          %mul3A_351 = arith.mulf %mul3A_346, %mul3A_346 : vector<16xf32>
          %mul3A_352 = arith.mulf %mul3A_343, %mul3A_346 : vector<16xf32>
          %mul3A_353 = arith.mulf %mul3A_346, %mul3A_351 : vector<16xf32>
          %mul3A_354 = arith.mulf %mul3A_350, %get3A_342 : vector<16xf32>
          %mul3A_355 = arith.mulf %mul3A_348, %get3A_342 : vector<16xf32>
          %mul3A_356 = arith.mulf %mul3A_345, %get3A_342 : vector<16xf32>
          %mul3A_357 = arith.mulf %mul3A_347, %get3A_342 : vector<16xf32>
          %mul3A_358 = arith.mulf %mul3A_343, %get3A_342 : vector<16xf32>
          %mul3A_359 = arith.mulf %mul3A_351, %get3A_342 : vector<16xf32>
          %mul3A_360 = arith.mulf %get3A_334, %mul3A_343 : vector<16xf32>
          %mul3A_361 = arith.mulf %get3A_334, %mul3A_351 : vector<16xf32>
          %mul3A_362 = arith.mulf %div3A_349, %get3A_342 : vector<16xf32>
          %mul3A_363 = arith.mulf %div3A_349, %mul3A_346 : vector<16xf32>
          %mul3A_364 = arith.mulf %div3A_349, %get3A_334 : vector<16xf32>
          %mul3A_365 = vector.broadcast %mul3A_37 : f32 to vector<16xf32>
          %mul3A_366 = arith.mulf %mul3A_365, %mul3A_346 : vector<16xf32>
          %mul3A_367 = vector.broadcast %mul3A_42 : f32 to vector<16xf32>
          %mul3A_368 = arith.mulf %mul3A_367, %get3A_342 : vector<16xf32>
          %mul3A_369 = vector.broadcast %mul3A_47 : f32 to vector<16xf32>
          %mul3A_370 = arith.mulf %mul3A_369, %get3A_334 : vector<16xf32>
          %mul3A_371 = vector.broadcast %mul3A_52 : f32 to vector<16xf32>
          %mul3A_372 = arith.mulf %mul3A_371, %mul3A_350 : vector<16xf32>
          %mul3A_373 = vector.broadcast %mul3A_57 : f32 to vector<16xf32>
          %mul3A_374 = arith.mulf %mul3A_373, %mul3A_348 : vector<16xf32>
          %mul3A_375 = vector.broadcast %mul3A_62 : f32 to vector<16xf32>
          %mul3A_376 = arith.mulf %mul3A_375, %mul3A_345 : vector<16xf32>
          %mul3A_377 = vector.broadcast %mul3A_72 : f32 to vector<16xf32>
          %mul3A_378 = arith.mulf %mul3A_377, %div3A_349 : vector<16xf32>
          %add3A_379 = arith.addf %mul3A_376, %mul3A_378 : vector<16xf32>
          %add3A_380 = arith.addf %add3A_379, %broadcast_in_dim3A_168 : vector<16xf32>
          %mul3A_381 = vector.broadcast %mul3A_77 : f32 to vector<16xf32>
          %mul3A_382 = arith.mulf %mul3A_381, %mul3A_347 : vector<16xf32>
          %mul3A_383 = vector.broadcast %mul3A_82 : f32 to vector<16xf32>
          %mul3A_384 = arith.mulf %mul3A_383, %mul3A_343 : vector<16xf32>
          %mul3A_385 = vector.broadcast %mul3A_87 : f32 to vector<16xf32>
          %mul3A_386 = arith.mulf %mul3A_385, %mul3A_351 : vector<16xf32>
          %add3A_387 = arith.addf %mul3A_384, %mul3A_386 : vector<16xf32>
          %mul3A_388 = vector.broadcast %mul3A_92 : f32 to vector<16xf32>
          %mul3A_389 = arith.mulf %mul3A_388, %mul3A_352 : vector<16xf32>
          %mul3A_390 = vector.broadcast %mul3A_97 : f32 to vector<16xf32>
          %mul3A_391 = arith.mulf %mul3A_390, %mul3A_353 : vector<16xf32>
          %add3A_392 = arith.addf %mul3A_389, %mul3A_391 : vector<16xf32>
          %mul3A_393 = vector.broadcast %mul3A_102 : f32 to vector<16xf32>
          %mul3A_394 = arith.mulf %mul3A_393, %mul3A_354 : vector<16xf32>
          %mul3A_395 = vector.broadcast %mul3A_107 : f32 to vector<16xf32>
          %mul3A_396 = arith.mulf %mul3A_395, %mul3A_355 : vector<16xf32>
          %mul3A_397 = vector.broadcast %mul3A_112 : f32 to vector<16xf32>
          %mul3A_398 = arith.mulf %mul3A_397, %mul3A_346 : vector<16xf32>
          %add3A_399 = arith.addf %mul3A_396, %mul3A_398 : vector<16xf32>
          %mul3A_400 = vector.broadcast %mul3A_117 : f32 to vector<16xf32>
          %mul3A_401 = arith.mulf %mul3A_400, %mul3A_363 : vector<16xf32>
          %add3A_402 = arith.addf %add3A_399, %mul3A_401 : vector<16xf32>
          %mul3A_403 = vector.broadcast %mul3A_122 : f32 to vector<16xf32>
          %mul3A_404 = arith.mulf %mul3A_403, %mul3A_356 : vector<16xf32>
          %mul3A_405 = vector.broadcast %mul3A_127 : f32 to vector<16xf32>
          %mul3A_406 = arith.mulf %mul3A_405, %get3A_342 : vector<16xf32>
          %add3A_407 = arith.addf %mul3A_404, %mul3A_406 : vector<16xf32>
          %mul3A_408 = vector.broadcast %mul3A_132 : f32 to vector<16xf32>
          %mul3A_409 = arith.mulf %mul3A_408, %mul3A_362 : vector<16xf32>
          %add3A_410 = arith.addf %add3A_407, %mul3A_409 : vector<16xf32>
          %mul3A_411 = vector.broadcast %mul3A_137 : f32 to vector<16xf32>
          %mul3A_412 = arith.mulf %mul3A_411, %mul3A_357 : vector<16xf32>
          %mul3A_413 = vector.broadcast %mul3A_142 : f32 to vector<16xf32>
          %mul3A_414 = arith.mulf %mul3A_413, %get3A_334 : vector<16xf32>
          %add3A_415 = arith.addf %mul3A_412, %mul3A_414 : vector<16xf32>
          %mul3A_416 = vector.broadcast %mul3A_147 : f32 to vector<16xf32>
          %mul3A_417 = arith.mulf %mul3A_416, %mul3A_364 : vector<16xf32>
          %add3A_418 = arith.addf %add3A_415, %mul3A_417 : vector<16xf32>
          %mul3A_419 = vector.broadcast %mul3A_152 : f32 to vector<16xf32>
          %mul3A_420 = arith.mulf %mul3A_419, %mul3A_358 : vector<16xf32>
          %mul3A_421 = vector.broadcast %mul3A_157 : f32 to vector<16xf32>
          %mul3A_422 = arith.mulf %mul3A_421, %mul3A_359 : vector<16xf32>
          %add3A_423 = arith.addf %mul3A_420, %mul3A_422 : vector<16xf32>
          %mul3A_424 = vector.broadcast %mul3A_162 : f32 to vector<16xf32>
          %mul3A_425 = arith.mulf %mul3A_424, %mul3A_360 : vector<16xf32>
          %mul3A_426 = vector.broadcast %mul3A_167 : f32 to vector<16xf32>
          %mul3A_427 = arith.mulf %mul3A_426, %mul3A_361 : vector<16xf32>
          %add3A_428 = arith.addf %mul3A_425, %mul3A_427 : vector<16xf32>
          %shift_right_arithmetic3A_429 = arith.constant 3 : i32
          %shift_right_arithmetic3A_430 = arith.shrsi %scan3A_325, %shift_right_arithmetic3A_429 : i32
          %shift_left3A_431 = arith.constant 10 : i32
          %shift_left3A_432 = arith.shli %shift_right_arithmetic3A_430, %shift_left3A_431 : i32
          %and3A_433 = arith.constant 7 : i32
          %and3A_434 = arith.andi %scan3A_325, %and3A_433 : i32
          %shift_left3A_435 = arith.constant 4 : i32
          %shift_left3A_436 = arith.shli %and3A_434, %shift_left3A_435 : i32
          %add3A_437 = arith.addi %shift_left3A_432, %shift_left3A_436 : i32
          %add3A_438 = arith.constant 0 : i32
          %add3A_439 = arith.addi %add3A_437, %add3A_438 : i32
          %swap3A = arith.index_cast %add3A_439 : i32 to index
          %swap3A_440 = tpu.vector_load %arg10[%swap3A] {strides = array<i32>} : memref<10240xf32, #tpu.memory_space<vmem>>, vector<16xf32>,
          tpu.vector_store %arg10[%swap3A], %broadcast_in_dim3A {strides = array<i32>} : memref<10240xf32, #tpu.memory_space<vmem>>, vector<16xf32>,
          %add3A_441 = arith.constant 0 : i32
          %add3A_442 = arith.addi %add3A_437, %add3A_441 : i32
          %swap3A_443 = arith.index_cast %add3A_442 : i32 to index
          %swap3A_444 = tpu.vector_load %arg11[%swap3A_443] {strides = array<i32>} : memref<10240xf32, #tpu.memory_space<vmem>>, vector<16xf32>,
          tpu.vector_store %arg11[%swap3A_443], %add3A_387 {strides = array<i32>} : memref<10240xf32, #tpu.memory_space<vmem>>, vector<16xf32>,
          %add3A_445 = arith.constant 128 : i32
          %add3A_446 = arith.addi %add3A_437, %add3A_445 : i32
          %swap3A_447 = arith.index_cast %add3A_446 : i32 to index
          %swap3A_448 = tpu.vector_load %arg10[%swap3A_447] {strides = array<i32>} : memref<10240xf32, #tpu.memory_space<vmem>>, vector<16xf32>,
          tpu.vector_store %arg10[%swap3A_447], %mul3A_366 {strides = array<i32>} : memref<10240xf32, #tpu.memory_space<vmem>>, vector<16xf32>,
          %add3A_449 = arith.constant 128 : i32
          %add3A_450 = arith.addi %add3A_437, %add3A_449 : i32
          %swap3A_451 = arith.index_cast %add3A_450 : i32 to index
          %swap3A_452 = tpu.vector_load %arg11[%swap3A_451] {strides = array<i32>} : memref<10240xf32, #tpu.memory_space<vmem>>, vector<16xf32>,
          tpu.vector_store %arg11[%swap3A_451], %add3A_392 {strides = array<i32>} : memref<10240xf32, #tpu.memory_space<vmem>>, vector<16xf32>,
          %add3A_453 = arith.constant 256 : i32
          %add3A_454 = arith.addi %add3A_437, %add3A_453 : i32
          %swap3A_455 = arith.index_cast %add3A_454 : i32 to index
          %swap3A_456 = tpu.vector_load %arg10[%swap3A_455] {strides = array<i32>} : memref<10240xf32, #tpu.memory_space<vmem>>, vector<16xf32>,
          tpu.vector_store %arg10[%swap3A_455], %mul3A_368 {strides = array<i32>} : memref<10240xf32, #tpu.memory_space<vmem>>, vector<16xf32>,
          %add3A_457 = arith.constant 256 : i32
          %add3A_458 = arith.addi %add3A_437, %add3A_457 : i32
          %swap3A_459 = arith.index_cast %add3A_458 : i32 to index
          %swap3A_460 = tpu.vector_load %arg11[%swap3A_459] {strides = array<i32>} : memref<10240xf32, #tpu.memory_space<vmem>>, vector<16xf32>,
          tpu.vector_store %arg11[%swap3A_459], %mul3A_394 {strides = array<i32>} : memref<10240xf32, #tpu.memory_space<vmem>>, vector<16xf32>,
          %add3A_461 = arith.constant 384 : i32
          %add3A_462 = arith.addi %add3A_437, %add3A_461 : i32
          %swap3A_463 = arith.index_cast %add3A_462 : i32 to index
          %swap3A_464 = tpu.vector_load %arg10[%swap3A_463] {strides = array<i32>} : memref<10240xf32, #tpu.memory_space<vmem>>, vector<16xf32>,
          tpu.vector_store %arg10[%swap3A_463], %mul3A_370 {strides = array<i32>} : memref<10240xf32, #tpu.memory_space<vmem>>, vector<16xf32>,
          %add3A_465 = arith.constant 384 : i32
          %add3A_466 = arith.addi %add3A_437, %add3A_465 : i32
          %swap3A_467 = arith.index_cast %add3A_466 : i32 to index
          %swap3A_468 = tpu.vector_load %arg11[%swap3A_467] {strides = array<i32>} : memref<10240xf32, #tpu.memory_space<vmem>>, vector<16xf32>,
          tpu.vector_store %arg11[%swap3A_467], %add3A_402 {strides = array<i32>} : memref<10240xf32, #tpu.memory_space<vmem>>, vector<16xf32>,
          %add3A_469 = arith.constant 512 : i32
          %add3A_470 = arith.addi %add3A_437, %add3A_469 : i32
          %swap3A_471 = arith.index_cast %add3A_470 : i32 to index
          %swap3A_472 = tpu.vector_load %arg10[%swap3A_471] {strides = array<i32>} : memref<10240xf32, #tpu.memory_space<vmem>>, vector<16xf32>,
          tpu.vector_store %arg10[%swap3A_471], %mul3A_372 {strides = array<i32>} : memref<10240xf32, #tpu.memory_space<vmem>>, vector<16xf32>,
          %add3A_473 = arith.constant 512 : i32
          %add3A_474 = arith.addi %add3A_437, %add3A_473 : i32
          %swap3A_475 = arith.index_cast %add3A_474 : i32 to index
          %swap3A_476 = tpu.vector_load %arg11[%swap3A_475] {strides = array<i32>} : memref<10240xf32, #tpu.memory_space<vmem>>, vector<16xf32>,
          tpu.vector_store %arg11[%swap3A_475], %add3A_410 {strides = array<i32>} : memref<10240xf32, #tpu.memory_space<vmem>>, vector<16xf32>,
          %add3A_477 = arith.constant 640 : i32
          %add3A_478 = arith.addi %add3A_437, %add3A_477 : i32
          %swap3A_479 = arith.index_cast %add3A_478 : i32 to index
          %swap3A_480 = tpu.vector_load %arg10[%swap3A_479] {strides = array<i32>} : memref<10240xf32, #tpu.memory_space<vmem>>, vector<16xf32>,
          tpu.vector_store %arg10[%swap3A_479], %mul3A_374 {strides = array<i32>} : memref<10240xf32, #tpu.memory_space<vmem>>, vector<16xf32>,
          %add3A_481 = arith.constant 640 : i32
          %add3A_482 = arith.addi %add3A_437, %add3A_481 : i32
          %swap3A_483 = arith.index_cast %add3A_482 : i32 to index
          %swap3A_484 = tpu.vector_load %arg11[%swap3A_483] {strides = array<i32>} : memref<10240xf32, #tpu.memory_space<vmem>>, vector<16xf32>,
          tpu.vector_store %arg11[%swap3A_483], %add3A_418 {strides = array<i32>} : memref<10240xf32, #tpu.memory_space<vmem>>, vector<16xf32>,
          %add3A_485 = arith.constant 768 : i32
          %add3A_486 = arith.addi %add3A_437, %add3A_485 : i32
          %swap3A_487 = arith.index_cast %add3A_486 : i32 to index
          %swap3A_488 = tpu.vector_load %arg10[%swap3A_487] {strides = array<i32>} : memref<10240xf32, #tpu.memory_space<vmem>>, vector<16xf32>,
          tpu.vector_store %arg10[%swap3A_487], %add3A_380 {strides = array<i32>} : memref<10240xf32, #tpu.memory_space<vmem>>, vector<16xf32>,
          %add3A_489 = arith.constant 768 : i32
          %add3A_490 = arith.addi %add3A_437, %add3A_489 : i32
          %swap3A_491 = arith.index_cast %add3A_490 : i32 to index
          %swap3A_492 = tpu.vector_load %arg11[%swap3A_491] {strides = array<i32>} : memref<10240xf32, #tpu.memory_space<vmem>>, vector<16xf32>,
          tpu.vector_store %arg11[%swap3A_491], %add3A_423 {strides = array<i32>} : memref<10240xf32, #tpu.memory_space<vmem>>, vector<16xf32>,
          %add3A_493 = arith.constant 896 : i32
          %add3A_494 = arith.addi %add3A_437, %add3A_493 : i32
          %swap3A_495 = arith.index_cast %add3A_494 : i32 to index
          %swap3A_496 = tpu.vector_load %arg10[%swap3A_495] {strides = array<i32>} : memref<10240xf32, #tpu.memory_space<vmem>>, vector<16xf32>,
          tpu.vector_store %arg10[%swap3A_495], %mul3A_382 {strides = array<i32>} : memref<10240xf32, #tpu.memory_space<vmem>>, vector<16xf32>,
          %add3A_497 = arith.constant 896 : i32
          %add3A_498 = arith.addi %add3A_437, %add3A_497 : i32
          %swap3A_499 = arith.index_cast %add3A_498 : i32 to index
          %swap3A_500 = tpu.vector_load %arg11[%swap3A_499] {strides = array<i32>} : memref<10240xf32, #tpu.memory_space<vmem>>, vector<16xf32>,
          tpu.vector_store %arg11[%swap3A_499], %add3A_428 {strides = array<i32>} : memref<10240xf32, #tpu.memory_space<vmem>>, vector<16xf32>,
        }
        %scan3A_315 = arith.constant 80 : i32
        %mul3A_316 = arith.constant 10240 : i32
        %mul3A_317 = arith.muli %add3A_296, %mul3A_316 : i32
        %dma_start3A = tpu.memref_slice %arg5[%mul3A_317] : memref<25600000xf32, #tpu.memory_space<hbm>> -> memref<10240xf32, #tpu.memory_space<hbm>>
        %dma_start3A_318 = tpu.memref_slice %arg5[%mul3A_317] : memref<25600000xf32, #tpu.memory_space<hbm>> -> memref<10240xf32, #tpu.memory_space<hbm>>
        tpu.enqueue_dma source(%arg10 : memref<10240xf32, #tpu.memory_space<vmem>>) target(%dma_start3A_318 : memref<10240xf32, #tpu.memory_space<hbm>>) target_semaphore(%arg17 : memref<!tpu.dma_semaphore, #tpu.memory_space<semaphore_mem>>)
        %mul3A_319 = arith.constant 10240 : i32
        %mul3A_320 = arith.muli %add3A_296, %mul3A_319 : i32
        %add3A_321 = arith.constant 12800000 : i32
        %add3A_322 = arith.addi %add3A_321, %mul3A_320 : i32
        %dma_start3A_323 = tpu.memref_slice %arg5[%add3A_322] : memref<25600000xf32, #tpu.memory_space<hbm>> -> memref<10240xf32, #tpu.memory_space<hbm>>
        %dma_start3A_324 = tpu.memref_slice %arg5[%add3A_322] : memref<25600000xf32, #tpu.memory_space<hbm>> -> memref<10240xf32, #tpu.memory_space<hbm>>
        tpu.enqueue_dma source(%arg11 : memref<10240xf32, #tpu.memory_space<vmem>>) target(%dma_start3A_324 : memref<10240xf32, #tpu.memory_space<hbm>>) target_semaphore(%arg17 : memref<!tpu.dma_semaphore, #tpu.memory_space<semaphore_mem>>)
      } else {
      }
    }
    %ge3A = arith.constant 1 : i32
    %ge3A_178 = arith.cmpi sge, %select_n3A, %ge3A : i32
    %sub3A_179 = arith.constant 1 : i32
    %sub3A_180 = arith.subi %select_n3A, %sub3A_179 : i32
    %jit3A_181 = arith.constant 2 : i32
    %eq3A = arith.constant 0 : i32
    %eq3A_182 = arith.cmpi eq, %jit3A_181, %eq3A : i32
    %jit3A_183 = arith.constant 1 : i32
    %select_n3A_184 = arith.select %eq3A_182, %jit3A_183, %jit3A_181 : i32
    %rem3A_185 = arith.remsi %sub3A_180, %select_n3A_184 : i32
    %ne3A_186 = arith.constant 0 : i32
    %ne3A_187 = arith.cmpi ne, %rem3A_185, %ne3A_186 : i32
    %lt3A = arith.constant 0 : i32
    %lt3A_188 = arith.cmpi slt, %rem3A_185, %lt3A : i32
    %lt3A_189 = arith.constant 0 : i32
    %lt3A_190 = arith.cmpi slt, %select_n3A_184, %lt3A_189 : i32
    %ne3A_191 = arith.xori %lt3A_188, %lt3A_190 : i1
    %and3A_192 = arith.andi %ne3A_191, %ne3A_187 : i1
    %add3A_193 = arith.addi %rem3A_185, %select_n3A_184 : i32
    %select_n3A_194 = arith.select %and3A_192, %add3A_193, %rem3A_185 : i32
    %eq3A_195 = arith.constant 0 : i32
    %eq3A_196 = arith.cmpi eq, %select_n3A_194, %eq3A_195 : i32
    %and3A_197 = arith.andi %ge3A_178, %eq3A_196 : i1
    %convert_element_type3A_198 = arith.extui %and3A_197 : i1 to i32
    %cond3A_199 = arith.constant 0 : i32
    %cond3A_200 = arith.cmpi ne, %convert_element_type3A_198, %cond3A_199 : i32
    scf.if %cond3A_200 {
      %dma_wait3A = arith.constant 0 : i32
      %dma_wait3A_279 = tpu.memref_slice %arg5[%dma_wait3A] : memref<25600000xf32, #tpu.memory_space<hbm>> -> memref<10240xf32, #tpu.memory_space<hbm>>
      %dma_wait3A_280 = arith.constant 0 : i32
      %dma_wait3A_281 = tpu.memref_slice %arg5[%dma_wait3A_280] : memref<25600000xf32, #tpu.memory_space<hbm>> -> memref<10240xf32, #tpu.memory_space<hbm>>
      tpu.wait_dma2 semaphore(%arg16 : memref<!tpu.dma_semaphore, #tpu.memory_space<semaphore_mem>>) src(%arg8 : memref<10240xf32, #tpu.memory_space<vmem>>) dst(%dma_wait3A_281 : memref<10240xf32, #tpu.memory_space<hbm>>)
      %dma_wait3A_282 = arith.constant 0 : i32
      %dma_wait3A_283 = tpu.memref_slice %arg5[%dma_wait3A_282] : memref<25600000xf32, #tpu.memory_space<hbm>> -> memref<10240xf32, #tpu.memory_space<hbm>>
      %dma_wait3A_284 = arith.constant 0 : i32
      %dma_wait3A_285 = tpu.memref_slice %arg5[%dma_wait3A_284] : memref<25600000xf32, #tpu.memory_space<hbm>> -> memref<10240xf32, #tpu.memory_space<hbm>>
      tpu.wait_dma2 semaphore(%arg16 : memref<!tpu.dma_semaphore, #tpu.memory_space<semaphore_mem>>) src(%arg9 : memref<10240xf32, #tpu.memory_space<vmem>>) dst(%dma_wait3A_285 : memref<10240xf32, #tpu.memory_space<hbm>>)
    } else {
    }
    %ge3A_201 = arith.constant 1 : i32
    %ge3A_202 = arith.cmpi sge, %select_n3A, %ge3A_201 : i32
    %sub3A_203 = arith.constant 1 : i32
    %sub3A_204 = arith.subi %select_n3A, %sub3A_203 : i32
    %jit3A_205 = arith.constant 2 : i32
    %eq3A_206 = arith.constant 0 : i32
    %eq3A_207 = arith.cmpi eq, %jit3A_205, %eq3A_206 : i32
    %jit3A_208 = arith.constant 1 : i32
    %select_n3A_209 = arith.select %eq3A_207, %jit3A_208, %jit3A_205 : i32
    %rem3A_210 = arith.remsi %sub3A_204, %select_n3A_209 : i32
    %ne3A_211 = arith.constant 0 : i32
    %ne3A_212 = arith.cmpi ne, %rem3A_210, %ne3A_211 : i32
    %lt3A_213 = arith.constant 0 : i32
    %lt3A_214 = arith.cmpi slt, %rem3A_210, %lt3A_213 : i32
    %lt3A_215 = arith.constant 0 : i32
    %lt3A_216 = arith.cmpi slt, %select_n3A_209, %lt3A_215 : i32
    %ne3A_217 = arith.xori %lt3A_214, %lt3A_216 : i1
    %and3A_218 = arith.andi %ne3A_217, %ne3A_212 : i1
    %add3A_219 = arith.addi %rem3A_210, %select_n3A_209 : i32
    %select_n3A_220 = arith.select %and3A_218, %add3A_219, %rem3A_210 : i32
    %eq3A_221 = arith.constant 1 : i32
    %eq3A_222 = arith.cmpi eq, %select_n3A_220, %eq3A_221 : i32
    %and3A_223 = arith.andi %ge3A_202, %eq3A_222 : i1
    %convert_element_type3A_224 = arith.extui %and3A_223 : i1 to i32
    %cond3A_225 = arith.constant 0 : i32
    %cond3A_226 = arith.cmpi ne, %convert_element_type3A_224, %cond3A_225 : i32
    scf.if %cond3A_226 {
      %dma_wait3A = arith.constant 0 : i32
      %dma_wait3A_279 = tpu.memref_slice %arg5[%dma_wait3A] : memref<25600000xf32, #tpu.memory_space<hbm>> -> memref<10240xf32, #tpu.memory_space<hbm>>
      %dma_wait3A_280 = arith.constant 0 : i32
      %dma_wait3A_281 = tpu.memref_slice %arg5[%dma_wait3A_280] : memref<25600000xf32, #tpu.memory_space<hbm>> -> memref<10240xf32, #tpu.memory_space<hbm>>
      tpu.wait_dma2 semaphore(%arg17 : memref<!tpu.dma_semaphore, #tpu.memory_space<semaphore_mem>>) src(%arg10 : memref<10240xf32, #tpu.memory_space<vmem>>) dst(%dma_wait3A_281 : memref<10240xf32, #tpu.memory_space<hbm>>)
      %dma_wait3A_282 = arith.constant 0 : i32
      %dma_wait3A_283 = tpu.memref_slice %arg5[%dma_wait3A_282] : memref<25600000xf32, #tpu.memory_space<hbm>> -> memref<10240xf32, #tpu.memory_space<hbm>>
      %dma_wait3A_284 = arith.constant 0 : i32
      %dma_wait3A_285 = tpu.memref_slice %arg5[%dma_wait3A_284] : memref<25600000xf32, #tpu.memory_space<hbm>> -> memref<10240xf32, #tpu.memory_space<hbm>>
      tpu.wait_dma2 semaphore(%arg17 : memref<!tpu.dma_semaphore, #tpu.memory_space<semaphore_mem>>) src(%arg11 : memref<10240xf32, #tpu.memory_space<vmem>>) dst(%dma_wait3A_285 : memref<10240xf32, #tpu.memory_space<hbm>>)
    } else {
    }
    %ge3A_227 = arith.constant 2 : i32
    %ge3A_228 = arith.cmpi sge, %select_n3A, %ge3A_227 : i32
    %sub3A_229 = arith.constant 2 : i32
    %sub3A_230 = arith.subi %select_n3A, %sub3A_229 : i32
    %jit3A_231 = arith.constant 2 : i32
    %eq3A_232 = arith.constant 0 : i32
    %eq3A_233 = arith.cmpi eq, %jit3A_231, %eq3A_232 : i32
    %jit3A_234 = arith.constant 1 : i32
    %select_n3A_235 = arith.select %eq3A_233, %jit3A_234, %jit3A_231 : i32
    %rem3A_236 = arith.remsi %sub3A_230, %select_n3A_235 : i32
    %ne3A_237 = arith.constant 0 : i32
    %ne3A_238 = arith.cmpi ne, %rem3A_236, %ne3A_237 : i32
    %lt3A_239 = arith.constant 0 : i32
    %lt3A_240 = arith.cmpi slt, %rem3A_236, %lt3A_239 : i32
    %lt3A_241 = arith.constant 0 : i32
    %lt3A_242 = arith.cmpi slt, %select_n3A_235, %lt3A_241 : i32
    %ne3A_243 = arith.xori %lt3A_240, %lt3A_242 : i1
    %and3A_244 = arith.andi %ne3A_243, %ne3A_238 : i1
    %add3A_245 = arith.addi %rem3A_236, %select_n3A_235 : i32
    %select_n3A_246 = arith.select %and3A_244, %add3A_245, %rem3A_236 : i32
    %eq3A_247 = arith.constant 0 : i32
    %eq3A_248 = arith.cmpi eq, %select_n3A_246, %eq3A_247 : i32
    %and3A_249 = arith.andi %ge3A_228, %eq3A_248 : i1
    %convert_element_type3A_250 = arith.extui %and3A_249 : i1 to i32
    %cond3A_251 = arith.constant 0 : i32
    %cond3A_252 = arith.cmpi ne, %convert_element_type3A_250, %cond3A_251 : i32
    scf.if %cond3A_252 {
      %dma_wait3A = arith.constant 0 : i32
      %dma_wait3A_279 = tpu.memref_slice %arg5[%dma_wait3A] : memref<25600000xf32, #tpu.memory_space<hbm>> -> memref<10240xf32, #tpu.memory_space<hbm>>
      %dma_wait3A_280 = arith.constant 0 : i32
      %dma_wait3A_281 = tpu.memref_slice %arg5[%dma_wait3A_280] : memref<25600000xf32, #tpu.memory_space<hbm>> -> memref<10240xf32, #tpu.memory_space<hbm>>
      tpu.wait_dma2 semaphore(%arg16 : memref<!tpu.dma_semaphore, #tpu.memory_space<semaphore_mem>>) src(%arg8 : memref<10240xf32, #tpu.memory_space<vmem>>) dst(%dma_wait3A_281 : memref<10240xf32, #tpu.memory_space<hbm>>)
      %dma_wait3A_282 = arith.constant 0 : i32
      %dma_wait3A_283 = tpu.memref_slice %arg5[%dma_wait3A_282] : memref<25600000xf32, #tpu.memory_space<hbm>> -> memref<10240xf32, #tpu.memory_space<hbm>>
      %dma_wait3A_284 = arith.constant 0 : i32
      %dma_wait3A_285 = tpu.memref_slice %arg5[%dma_wait3A_284] : memref<25600000xf32, #tpu.memory_space<hbm>> -> memref<10240xf32, #tpu.memory_space<hbm>>
      tpu.wait_dma2 semaphore(%arg16 : memref<!tpu.dma_semaphore, #tpu.memory_space<semaphore_mem>>) src(%arg9 : memref<10240xf32, #tpu.memory_space<vmem>>) dst(%dma_wait3A_285 : memref<10240xf32, #tpu.memory_space<hbm>>)
    } else {
    }
    %ge3A_253 = arith.constant 2 : i32
    %ge3A_254 = arith.cmpi sge, %select_n3A, %ge3A_253 : i32
    %sub3A_255 = arith.constant 2 : i32
    %sub3A_256 = arith.subi %select_n3A, %sub3A_255 : i32
    %jit3A_257 = arith.constant 2 : i32
    %eq3A_258 = arith.constant 0 : i32
    %eq3A_259 = arith.cmpi eq, %jit3A_257, %eq3A_258 : i32
    %jit3A_260 = arith.constant 1 : i32
    %select_n3A_261 = arith.select %eq3A_259, %jit3A_260, %jit3A_257 : i32
    %rem3A_262 = arith.remsi %sub3A_256, %select_n3A_261 : i32
    %ne3A_263 = arith.constant 0 : i32
    %ne3A_264 = arith.cmpi ne, %rem3A_262, %ne3A_263 : i32
    %lt3A_265 = arith.constant 0 : i32
    %lt3A_266 = arith.cmpi slt, %rem3A_262, %lt3A_265 : i32
    %lt3A_267 = arith.constant 0 : i32
    %lt3A_268 = arith.cmpi slt, %select_n3A_261, %lt3A_267 : i32
    %ne3A_269 = arith.xori %lt3A_266, %lt3A_268 : i1
    %and3A_270 = arith.andi %ne3A_269, %ne3A_264 : i1
    %add3A_271 = arith.addi %rem3A_262, %select_n3A_261 : i32
    %select_n3A_272 = arith.select %and3A_270, %add3A_271, %rem3A_262 : i32
    %eq3A_273 = arith.constant 1 : i32
    %eq3A_274 = arith.cmpi eq, %select_n3A_272, %eq3A_273 : i32
    %and3A_275 = arith.andi %ge3A_254, %eq3A_274 : i1
    %convert_element_type3A_276 = arith.extui %and3A_275 : i1 to i32
    %cond3A_277 = arith.constant 0 : i32
    %cond3A_278 = arith.cmpi ne, %convert_element_type3A_276, %cond3A_277 : i32
    scf.if %cond3A_278 {
      %dma_wait3A = arith.constant 0 : i32
      %dma_wait3A_279 = tpu.memref_slice %arg5[%dma_wait3A] : memref<25600000xf32, #tpu.memory_space<hbm>> -> memref<10240xf32, #tpu.memory_space<hbm>>
      %dma_wait3A_280 = arith.constant 0 : i32
      %dma_wait3A_281 = tpu.memref_slice %arg5[%dma_wait3A_280] : memref<25600000xf32, #tpu.memory_space<hbm>> -> memref<10240xf32, #tpu.memory_space<hbm>>
      tpu.wait_dma2 semaphore(%arg17 : memref<!tpu.dma_semaphore, #tpu.memory_space<semaphore_mem>>) src(%arg10 : memref<10240xf32, #tpu.memory_space<vmem>>) dst(%dma_wait3A_281 : memref<10240xf32, #tpu.memory_space<hbm>>)
      %dma_wait3A_282 = arith.constant 0 : i32
      %dma_wait3A_283 = tpu.memref_slice %arg5[%dma_wait3A_282] : memref<25600000xf32, #tpu.memory_space<hbm>> -> memref<10240xf32, #tpu.memory_space<hbm>>
      %dma_wait3A_284 = arith.constant 0 : i32
      %dma_wait3A_285 = tpu.memref_slice %arg5[%dma_wait3A_284] : memref<25600000xf32, #tpu.memory_space<hbm>> -> memref<10240xf32, #tpu.memory_space<hbm>>
      tpu.wait_dma2 semaphore(%arg17 : memref<!tpu.dma_semaphore, #tpu.memory_space<semaphore_mem>>) src(%arg11 : memref<10240xf32, #tpu.memory_space<vmem>>) dst(%dma_wait3A_285 : memref<10240xf32, #tpu.memory_space<hbm>>)
    } else {
    }
    return
  }
}

</mosaic_0001>

<sc_bundles>
// kernel: kernel.3.cloned.1.call-start
scs
__scs_entry_jumppad:
0x0: {  	(pc) =	sbr.rel $0x88, $3  }
0x1: {  	(tag) =	ssettag $0x0;
	lr =	simm.s32 $0x1  }
0x2: {  	[smem:$0x3F9E] =	sst lr;
	_ =	strace $0xD0000000  }
0x3: {  	_ = 	snop  }
0x4: {  	_ = 	snop  }
0x5: {  	_ = 	snop  }
0x6: {  	_ = 	snop  }
0x7: {  	_ = 	snop  }
__scs_overlays_trampoline_lowered:
0x8: {  	[smem:$0x3FAD] =	sst s0  }
0x9: {  	[smem:$0x3FAE] =	sst s1  }
0xa: {  	[smem:$0x3FAF] =	sst s2  }
0xb: {  	[smem:$0x3FB0] =	sst s3  }
0xc: {  	[smem:$0x3FB1] =	sst s4  }
0xd: {  	[smem:$0x3FB2] =	sst s5  }
0xe: {  	[smem:$0x3FB3] =	sst s6  }
0xf: {  	[smem:$0x3FB4] =	sst s7  }
0x10: {  	[smem:$0x3FB5] =	sst s8  }
0x11: {  	[smem:$0x3FB6] =	sst s9;
	s0 =	simm.s32 @!p0 $0x0  }
0x12: {  	s1 =	sld [smem:$0x3F9C];
	s0 =	simm.s32 @p0 $0x1  }
0x13: {  	[smem:$0x3FB7] =	sst s0;
	s0 =	simm.s32 @!p1 $0x0  }
0x14: {  	s2 =	sld [smem:$0x3F9B];
	s0 =	simm.s32 @p1 $0x1  }
0x15: {  	[smem:$0x3FB8] =	sst s0;
	s0 =	simm.s32 @!p2 $0x0  }
0x16: {  	s3 =	sld [smem:$0x3FDB];
	s0 =	simm.s32 @p2 $0x1  }
0x17: {  	s4 =	simm.s32 $0x1BF5;
	[smem:$0x3FBA] =	sst s0  }
0x18: {  	s0 =	sld [smem:$0x3F9D];
	_ =	swait.ge [sflag:s4], $0x0  }
0x19: {  	s7 =	sld [smem:$0x3F9E]  }
0x1a: {  	s8 =	sadd.s32 $0xFFFFE003, lr  }
0x1b: {  	s9 =	sadd.s32 $0xFFFFFEF7, lr;
	s5 =	simm.s32 $0xFFFFFFFF;
	p2 =	slt.u32 s8, $0xFFFFF086  }
0x1c: {  	p1 =	slt.u32 s9, $0xF7A;
	s5 =	simm.s32 @!p2 $0x0  }
0x1d: {  	s5 =	simm.s32 @p1 $0x1;
	p0 =	seq.s32 s7, s2  }
0x1e: {  	s7 =	smul.u32 @!p0 $0xF7A, s2;
	p2 =	seq.s32 @!p0 s5, $0x0  }
0x1f: {  	s9 =	smul.u32 $0xF7A, s1;
	s8 =	simm.s32 @!p0 $0x1BF5;
	p2 =	por !p2, p0  }
0x20: {  	[sflag:s8] =	ssyncset.s32 @!p0 $0xFFFFF086;
	s6 =	sadd.s32 @!p0 s3, s7;
	s7 =	simm.s32 @!p0 $0x108  }
0x21: {  	s3 =	sadd.s32 s3, s9;
	s6 =	sadd.s32 @!p0 $0x88, s6;
	s7 =	simm.s32 @p2 $0x1082  }
0x22: {  	[simem:s7], [sflag:s8] =	dma.local @!p0 [hbm:s6], $0xF7A  }
0x23: {  	s9 =	sor.u32 $0xD0000000, s2;
	s6 =	simm.s32 $0x108;
	_ =	swait.ge @!p0 [sflag:s8], $0x0  }
0x24: {  	s3 =	sadd.s32 $0x88, s3;
	s6 =	simm.s32 @!p1 $0x1082;
	[sflag:s4] =	ssyncset.s32 $0xFFFFF086  }
0x25: {  	[simem:s6], [sflag:s4] =	dma.local [hbm:s3], $0xF7A  }
0x26: {  	[smem:$0x3F9E] =	sst s1;
	(tag) =	ssettag s2;
	_ =	strace s9  }
0x27: {  	s1 =	sld [smem:$0x3FAE]  }
0x28: {  	s2 =	sld [smem:$0x3FAF]  }
0x29: {  	s4 =	sld [smem:$0x3FB1]  }
0x2a: {  	p0 =	seq.s32 s5, $0x0;
	s5 =	sld [smem:$0x3FB2]  }
0x2b: {  	s6 =	sld [smem:$0x3FB3]  }
0x2c: {  	s7 =	sld [smem:$0x3FB4]  }
0x2d: {  	s3 =	simm.s32 $0x108;
	s8 =	sld [smem:$0x3FB5]  }
0x2e: {  	s3 =	simm.s32 @!p0 $0x1082;
	s9 =	sld [smem:$0x3FB6]  }
0x2f: {  	lr =	sadd.s32 s0, s3;
	s0 =	sld [smem:$0x3FAD]  }
0x30: {  	s3 =	sld [smem:$0x3FB0]  }
0x31: {  	[smem:$0x3FB9] =	sst s10  }
0x32: {  	s10 =	sld [smem:$0x3FB7];
	_ =	sdelay $0x3  }
0x33: {  	p0 =	seq.s32 s10, $0x1;
	s10 =	sld [smem:$0x3FB9];
	_ =	sdelay $0x3  }
0x34: {  	[smem:$0x3FB9] =	sst s10  }
0x35: {  	s10 =	sld [smem:$0x3FB8];
	_ =	sdelay $0x3  }
0x36: {  	p1 =	seq.s32 s10, $0x1;
	s10 =	sld [smem:$0x3FB9];
	_ =	sdelay $0x3  }
0x37: {  	[smem:$0x3FB9] =	sst s10  }
0x38: {  	s10 =	sld [smem:$0x3FBA]  }
0x39: {  	_ = 	snop;
	(pc) =	sbr.ind lr, $3  }
0x3a: {  	_ = 	snop  }
0x3b: {  	_ = 	snop  }
0x3c: {  	p2 =	seq.s32 s10, $0x1;
	s10 =	sld [smem:$0x3FB9]  }
0x3d: {  	_ =	shalt  }
0x3e: {  	_ =	shalt  }
0x3f: {  	_ =	shalt  }
0x40: {  	_ =	shalt  }
0x41: {  	_ =	shalt  }
0x42: {  	_ =	shalt  }
0x43: {  	_ =	shalt  }
0x44: {  	_ =	shalt  }
0x45: {  	_ =	shalt  }
0x46: {  	_ =	shalt  }
0x47: {  	_ =	shalt  }
0x48: {  	_ =	shalt  }
0x49: {  	_ =	shalt  }
0x4a: {  	_ =	shalt  }
0x4b: {  	_ =	shalt  }
0x4c: {  	_ =	shalt  }
0x4d: {  	_ =	shalt  }
0x4e: {  	_ =	shalt  }
0x4f: {  	_ =	shalt  }
0x50: {  	_ =	shalt  }
0x51: {  	_ =	shalt  }
0x52: {  	_ =	shalt  }
0x53: {  	_ =	shalt  }
0x54: {  	_ =	shalt  }
0x55: {  	_ =	shalt  }
0x56: {  	_ =	shalt  }
0x57: {  	_ =	shalt  }
0x58: {  	_ =	shalt  }
0x59: {  	_ =	shalt  }
0x5a: {  	_ =	shalt  }
0x5b: {  	_ =	shalt  }
0x5c: {  	_ =	shalt  }
0x5d: {  	_ =	shalt  }
0x5e: {  	_ =	shalt  }
0x5f: {  	_ =	shalt  }
0x60: {  	_ =	shalt  }
0x61: {  	_ =	shalt  }
0x62: {  	_ =	shalt  }
0x63: {  	_ =	shalt  }
0x64: {  	_ =	shalt  }
0x65: {  	_ =	shalt  }
0x66: {  	_ =	shalt  }
0x67: {  	_ =	shalt  }
0x68: {  	_ =	shalt  }
0x69: {  	_ =	shalt  }
0x6a: {  	_ =	shalt  }
0x6b: {  	_ =	shalt  }
0x6c: {  	_ =	shalt  }
0x6d: {  	_ =	shalt  }
0x6e: {  	_ =	shalt  }
0x6f: {  	_ =	shalt  }
0x70: {  	_ =	shalt  }
0x71: {  	_ =	shalt  }
0x72: {  	_ =	shalt  }
0x73: {  	_ =	shalt  }
0x74: {  	_ =	shalt  }
0x75: {  	_ =	shalt  }
0x76: {  	_ =	shalt  }
0x77: {  	_ =	shalt  }
0x78: {  	_ =	shalt  }
0x79: {  	_ =	shalt  }
0x7a: {  	_ =	shalt  }
0x7b: {  	_ =	shalt  }
0x7c: {  	_ =	shalt  }
0x7d: {  	_ =	shalt  }
0x7e: {  	_ =	shalt  }
0x7f: {  	_ =	shalt  }
0x80: {  	_ =	shalt  }
0x81: {  	_ =	shalt  }
0x82: {  	_ =	shalt  }
0x83: {  	_ =	shalt  }
0x84: {  	_ =	shalt  }
0x85: {  	_ =	shalt  }
0x86: {  	_ =	shalt  }
0x87: {  	_ =	shalt  }
.Lfunc_end0:
.L_simem_size_0:
called_computation_lowered:
.L_overlay_start_0:
0x88: {  	s2 =	sld [smem:$0x3FD9]  }
0x89: {  	s3 =	sld [smem:$0x3FFE];
	_ =	sdelay $0x1  }
0x8a: {  	s1 =	srdreg.scid  }
0x8b: {  	s0 =	sand.u32 $0x1, s1  }
0x8c: {  	s17 =	sshll.u32 s0, $0xA;
	s2 =	sadd.s32 s3, s2  }
0x8d: {  	s2 =	sadd.s32 s2, s17  }
0x8e: {  	[smem:$0x3FC5] =	sst s2  }
0x8f: {  	_ = 	snop  }
0x90: {  	s2 =	sld [smem:$0x3FC7]  }
0x91: {  	s18 =	sld [smem:$0x3FD0];
	(tm) =	ssettm $0x1  }
0x92: {  	s4 =	sld [smem:$0x3FFB];
	_ =	sdelay $0x3  }
0x93: {  	_ =	strace s4  }
0x94: {  	s4 =	sld [smem:$0x3FFC];
	_ =	sdelay $0x3  }
0x95: {  	_ =	strace s4  }
0x96: {  	s4 =	sld [smem:$0x3FFD];
	_ =	sdelay $0x3  }
0x97: {  	_ =	strace s4  }
0x98: {  	_ =	strace $0x8FFFFFFF  }
0x99: {  	s19 =	sld [smem:$0x3FDB];
	_ =	sdelay $0x1  }
0x9a: {  	s5 =	simm.s32 $_scs_section_size  }
0x9b: {  	s6 =	simm.s32 $_size__tile_overlayer_lowered;
	s7 =	simm.s32 $_tile_overlayer_lowered  }
0x9c: {  	s22 =	simm.s32 $0x1BFF;
	s21 =	sshll.u32 s7, $0x1;
	s4 =	sadd.s32 s5, s19  }
0x9d: {  	s8 =	simm.s32 $0x0;
	s20 =	sshll.u32 s6, $0x1;
	s6 =	sadd.s32 s21, s4  }
0x9e: {  	[timem:s8], [sflag:s22] =	dma.local [hbm:s6], s20  }
0x9f: {  	_ =	swait.ge [sflag:s22], s20  }
0xa0: {  	s5 =	ssub.s32 $0x0, s20;
	[sflag:s22] =	ssyncset.done $0x0  }
0xa1: {  	[sflag:s22] =	ssyncadd.s32 s5;
	_ =	sdelay $0x1  }
0xa2: {  	s23 =	simm.s32 $0x1B8B  }
0xa3: {  	_ =	swait.ge [sflag:s23], $0x1  }
0xa4: {  	[sflag:s23] =	ssyncset.done $0x0  }
0xa5: {  	s25 =	simm.s32 $0x1B8E;
	s24 =	sld [smem:$0x3FFE];
	[sflag:s23] =	ssyncadd.s32 $0xFFFFFFFF  }
0xa6: {  	s26 =	simm.s32 $execute0_lowered;
	[smem:$0x3FD2] =	sst s25  }
0xa7: {  	s6 =	sshll.u32 s26, $0x1;
	_ =	strace $0x80000046;
	[dreg:$0x1] =	wrdreg $0xFFFFFFFF  }
0xa8: {  	s28 =	simm.s32 $_size_execute0_lowered;
	s4 =	sadd.s32 s4, s6;
	[dreg:$0x0] =	wrdreg $0x0  }
0xa9: {  	s6 =	sshll.u32 s28, $0x1;
	[dreg:$0x2] =	wrdreg s4  }
0xaa: {  	[dreg:$0x3] =	wrdreg s6  }
0xab: {  	[dreg:$0x4] =	wrdreg $0xC0  }
0xac: {  	_ =	task [dreg:s8], $0x5FFFF  }
0xad: {  	[dreg:$0x1] =	wrdreg $0xFFFFFFFF  }
0xae: {  	[dreg:$0x0] =	wrdreg $0x60  }
0xaf: {  	[dreg:$0x2] =	wrdreg s24  }
0xb0: {  	[dreg:$0x3] =	wrdreg s2  }
0xb1: {  	[dreg:$0x4] =	wrdreg s18  }
0xb2: {  	[dreg:$0x5] =	wrdreg $0x9  }
0xb3: {  	_ =	task.clear_ibuf [dreg:s8], $0x6FFFF;
	_ =	strace $0x90000046  }
0xb4: {  	s29 =	simm.s32 $0x9;
	_ =	strace $0x80000048  }
0xb5: {  	_ =	swait.ge [sflag:s29], $0x1  }
0xb6: {  	[sflag:s29] =	ssyncadd.s32 $0xFFFFFFFF  }
0xb7: {  	_ =	strace $0x90000048  }
0xb8: {  	_ =	sfence  }
0xb9: {  	s30 =	sld [smem:$0x0];
	_ =	sdelay $0x2  }
0xba: {  	s31 =	sshll.u32 s1, $0xD;
	s1 =	sshrl.u32 s1, $0x2  }
0xbb: {  	s3 =	sand.u32 $0x4000, s31;
	s1 =	sadd.s32 s1, s30  }
0xbc: {  	s0 =	sor.u32 s3, s0;
	s1 =	sshll.u32 s1, $0x11  }
0xbd: {  	s0 =	sor.u32 s1, s0  }
0xbe: {  	s0 =	sadd.s32 $0x8F2B, s0  }
0xbf: {  	[sflag:s0] =	ssyncadd.remote.s32 $0x1  }
0xc0: {  	_ =	sfence.sel $0xFFFF  }
0xc1: {  	[dreg:$0x0] =	wrdreg $0xFFFFFFFF;
	(pc) =	sbr.abs _section_cstart, $3  }
0xc2: {  	[dreg:$0x1] =	wrdreg $0xFFFFFFFF  }
0xc3: {  	_ =	task.clear_ibuf [dreg:s8], $0x2FFFF;
	_ =	strace $0x9FFFFFFF  }
0xc4: {  	(tm) =	ssettm $0x7FFFFFFF  }
0xc5: {  	_ =	shalt  }
tec
execute0_lowered:
.L_overlay_start_1:
0x0: {  	(tag) =	ssettag $0x1  }
0x1: {  	s8 =	rddreg [dreg:$0x0]  }
0x2: {  	s3 =	rddreg [dreg:$0x2];
	s4 =	simm.s32 $0x0;
	s5 =	srdreg.scid  }
0x3: {  	s0 =	stileid.u32;
	s14 =	simm.s32 $0x2;
	s2 =	simm.s32 $0x0  }
0x4: {  	[smem:$0x7FF] =	sst s4;
	s7 =	sand.u32 $0x1, s5;
	s28 =	sshll.u32 s0, $0x1  }
0x5: {  	s6 =	sadd.s32 $0x600, s8;
	s29 =	sadd.s32 $0x92E00, s8;
	s5 =	sor.u32 s7, s28  }
0x6: {  	_ =	strace $0x80000047;
	s9 =	ssub.s32 $0x2, s7;
	s12 =	smul.u32 $0x1E0, s5  }
.Ltmp0:
0x7: {  	s10 =	ssub.s32 $0x501, s5;
	s11 =	sshrl.u32 s9, $0x1;
	(pc) =	sbr.rel .LBB2_1-.Ltmp0, $4  }
0x8: {  	[dreg:$0x4] =	wrdreg s29;
	s7 =	sshrl.u32 s10, $0x5;
	s11 =	ssub.s32 s9, s11  }
0x9: {  	s17 =	sand.u32 $0x20, s10;
	s13 =	sand.u32 $0x1, s7;
	s30 =	sadd.s32 s6, s12  }
0xa: {  	s31 =	smax.u32 s11, $0x1;
	p1 =	sne.s32 s17, $0x0;
	[dreg:$0x5] =	wrdreg s30  }
0xb: {  	s17 =	simm.s32 $0x1;
	p0 =	seq.s32 s13, $0x1;
	[dreg:$0x6] =	wrdreg s31  }
.LBB2_10:
0xc: {  	s0 =	simm.s32 @p0 $0x3  }
0xd: {  	_ =	swait.ge @p0 [sflag:s0], $0x2800  }
0xe: {  	[sflag:s0] =	ssyncset.done @p0 $0x0  }
0xf: {  	[sflag:s0] =	ssyncadd.s32 @p0 $0xFFFFD800  }
0x10: {  	_ =	swait.ge @p0 [sflag:s0], $0x2800  }
0x11: {  	[sflag:s0] =	ssyncset.done @p0 $0x0  }
0x12: {  	[sflag:s0] =	ssyncadd.s32 @p0 $0xFFFFD800;
	s0 =	simm.s32 @!p1 $0x4  }
0x13: {  	_ =	swait.ge @!p1 [sflag:s0], $0x2800  }
0x14: {  	[sflag:s0] =	ssyncset.done @!p1 $0x0  }
0x15: {  	[sflag:s0] =	ssyncadd.s32 @!p1 $0xFFFFD800  }
0x16: {  	_ =	swait.ge @!p1 [sflag:s0], $0x2800  }
0x17: {  	[sflag:s0] =	ssyncset.done @!p1 $0x0  }
0x18: {  	[sflag:s0] =	ssyncadd.s32 @!p1 $0xFFFFD800;
	s0 =	simm.s32 @!p1 $0x3  }
0x19: {  	_ =	swait.ge @!p1 [sflag:s0], $0x2800  }
0x1a: {  	[sflag:s0] =	ssyncset.done @!p1 $0x0  }
0x1b: {  	[sflag:s0] =	ssyncadd.s32 @!p1 $0xFFFFD800  }
0x1c: {  	_ =	swait.ge @!p1 [sflag:s0], $0x2800  }
0x1d: {  	[sflag:s0] =	ssyncset.done @!p1 $0x0  }
0x1e: {  	[sflag:s0] =	ssyncadd.s32 @!p1 $0xFFFFD800;
	s0 =	simm.s32 @p0 $0x4  }
0x1f: {  	_ =	swait.ge @p0 [sflag:s0], $0x2800  }
0x20: {  	[sflag:s0] =	ssyncset.done @p0 $0x0  }
0x21: {  	[sflag:s0] =	ssyncadd.s32 @p0 $0xFFFFD800  }
0x22: {  	_ =	swait.ge @p0 [sflag:s0], $0x2800  }
0x23: {  	s2 =	rddreg [dreg:$0x7]  }
0x24: {  	s1 =	rddreg [dreg:$0x6];
	s2 =	sadd.s32 $0x1, s2  }
0x25: {  	p2 =	sne.s32 s2, s1  }
.Ltmp1:
0x26: {  	_ = 	snop;
	(pc) =	sbr.rel @!p2 .LBB2_11-.Ltmp1, $3  }
0x27: {  	_ =	sdelay $0x1  }
0x28: {  	[sflag:s0] =	ssyncset.done @p0 $0x0  }
0x29: {  	[sflag:s0] =	ssyncadd.s32 @p0 $0xFFFFD800  }
.LBB2_1:
0x2a: {  	[dreg:$0x7] =	wrdreg s2  }
0x2b: {  	s0 =	rddreg [dreg:$0x5]  }
0x2c: {  	[tilespmem:s4], [sflag:$0x1] =	stream.linear.gather [hbm4b:s0+s4], $0xF00, $0x38;
	[tilespmem:$0xBF00] =	vst v63  }
0x2d: {  	s28 =	rddreg [dreg:$0x4];
	s1 =	simm.s32 $0xBE00;
	s29 =	simm.s32 $0x5  }
0x2e: {  	[tilespmem:s1], [sflag:$0x5] =	stream.linear.gather [hbm4b:s28+s4], $0x80, $0x38;
	[tilespmem:$0xBF00] =	vst v63  }
0x2f: {  	_ =	swait.ge [sflag:s29], $0x80  }
0x30: {  	[sflag:s29] =	ssyncset.done $0x0  }
0x31: {  	[sflag:s29] =	ssyncadd.s32 $0xFFFFFF80  }
0x32: {  	s31 =	simm.s32 $0xBE80;
	s30 =	rddreg [dreg:$0x1]  }
0x33: {  	[tilespmem:s31], [sflag:$0x5] =	stream.linear.gather [hbm4b:s30+s4], $0x80, $0x38;
	[tilespmem:$0xBF00] =	vst v63  }
0x34: {  	_ =	swait.ge [sflag:s29], $0x80  }
0x35: {  	[sflag:s29] =	ssyncset.done $0x0  }
0x36: {  	[sflag:s29] =	ssyncadd.s32 $0xFFFFFF80  }
0x37: {  	v0 =	vld [tilespmem:$0xBE00]  }
0x38: {  	v1 =	vld [tilespmem:$0xBE80];
	_ =	sdelay $0x3  }
0x39: {  	(v2sf) =	vpush v0, $0x0  }
0x3a: {  	(v2sf) =	vpush v1, $0x0  }
0x3b: {  	(v2sf) =	vpush v0, $0x1  }
0x3c: {  	(v2sf) =	vpush v1, $0x1  }
0x3d: {  	(v2sf) =	vpush v0, $0x2  }
0x3e: {  	(v2sf) =	vpush v1, $0x2  }
0x3f: {  	(v2sf) =	vpush v0, $0x3  }
0x40: {  	(v2sf) =	vpush v1, $0x3  }
0x41: {  	(v2sf) =	vpush v0, $0x4  }
0x42: {  	(v2sf) =	vpush v1, $0x4  }
0x43: {  	(v2sf) =	vpush v0, $0x5  }
0x44: {  	(v2sf) =	vpush v1, $0x5  }
0x45: {  	(v2sf) =	vpush v0, $0x6  }
0x46: {  	(v2sf) =	vpush v1, $0x6  }
0x47: {  	(v2sf) =	vpush v0, $0x7  }
0x48: {  	s21 =	spop (v2sf);
	(v2sf) =	vpush v0, $0x8  }
0x49: {  	s22 =	spop (v2sf);
	(v2sf) =	vpush v0, $0x9  }
0x4a: {  	s23 =	spop (v2sf);
	(v2sf) =	vpush v1, $0x7  }
0x4b: {  	s24 =	spop (v2sf);
	(v2sf) =	vpush v0, $0xA  }
0x4c: {  	s25 =	spop (v2sf);
	(v2sf) =	vpush v1, $0x8  }
0x4d: {  	s26 =	spop (v2sf);
	(v2sf) =	vpush v0, $0xB  }
0x4e: {  	s28 =	spop (v2sf);
	(v2sf) =	vpush v0, $0xC  }
0x4f: {  	s29 =	spop (v2sf);
	(v2sf) =	vpush v1, $0x9  }
0x50: {  	v2 =	vld [tilespmem:$0xBE10];
	s30 =	spop (v2sf);
	(v2sf) =	vpush v0, $0xD  }
0x51: {  	s31 =	spop (v2sf);
	(v2sf) =	vpush v0, $0xE  }
0x52: {  	s2 =	spop (v2sf);
	(v2sf) =	vpush v1, $0xA  }
0x53: {  	s1 =	spop (v2sf);
	(v2sf) =	vpush v0, $0xF  }
0x54: {  	s12 =	spop (v2sf);
	(v2sf) =	vpush v1, $0xB  }
0x55: {  	s10 =	smul.f32 s22, s21;
	s11 =	spop (v2sf);
	(v2sf) =	vpush v2, $0x0  }
0x56: {  	s13 =	spop (v2sf);
	(v2sf) =	vpush v2, $0x1  }
0x57: {  	[dreg:$0x8] =	wrdreg s10;
	s8 =	spop (v2sf);
	(v2sf) =	vpush v2, $0x2  }
0x58: {  	s23 =	smul.f32 s24, s23;
	s9 =	spop (v2sf);
	(v2sf) =	vpush v1, $0xC  }
0x59: {  	s25 =	smul.f32 s26, s25;
	s15 =	spop (v2sf);
	(v2sf) =	vpush v2, $0x3  }
0x5a: {  	s28 =	smul.f32 s29, s28;
	s20 =	spop (v2sf);
	(v2sf) =	vpush v2, $0x4  }
0x5b: {  	s30 =	smul.f32 s31, s30;
	s16 =	spop (v2sf);
	(v2sf) =	vpush v2, $0x5  }
0x5c: {  	s21 =	smul.f32 s1, s2;
	s18 =	spop (v2sf);
	(v2sf) =	vpush v1, $0xD  }
0x5d: {  	s1 =	smul.f32 s11, s12;
	s19 =	spop (v2sf);
	(v2sf) =	vpush v2, $0x6  }
0x5e: {  	s13 =	smul.f32 s11, s13;
	s2 =	spop (v2sf);
	(v2sf) =	vpush v2, $0x7  }
0x5f: {  	s8 =	smul.f32 s11, s8;
	s10 =	spop (v2sf);
	(v2sf) =	vpush v2, $0x8  }
0x60: {  	s9 =	smul.f32 s15, s9;
	s12 =	spop (v2sf);
	(v2sf) =	vpush v1, $0xE  }
0x61: {  	s24 =	smul.f32 s16, s20;
	s0 =	spop (v2sf);
	(v2sf) =	vpush v2, $0x9  }
0x62: {  	s26 =	smul.f32 s16, s18;
	s15 =	spop (v2sf);
	(v2sf) =	vpush v2, $0xA  }
0x63: {  	s31 =	smul.f32 s2, s19;
	s20 =	spop (v2sf);
	(v2sf) =	vpush v1, $0xF  }
0x64: {  	s2 =	smul.f32 s2, s10;
	s16 =	spop (v2sf);
	(v2sf) =	vpush v2, $0xB  }
0x65: {  	s11 =	smul.f32 s0, s12;
	s18 =	spop (v2sf)  }
0x66: {  	s22 =	smul.f32 s20, s15;
	s19 =	spop (v2sf)  }
0x67: {  	s29 =	smul.f32 s20, s16;
	s10 =	spop (v2sf)  }
0x68: {  	s18 =	smul.f32 s20, s18;
	s12 =	spop (v2sf)  }
0x69: {  	s19 =	smul.f32 s10, s19;
	s15 =	spop (v2sf)  }
0x6a: {  	s12 =	smul.f32 s10, s12;
	s16 =	spop (v2sf)  }
0x6b: {  	s10 =	smul.f32 s10, s15;
	s20 =	spop (v2sf)  }
0x6c: {  	s15 =	rddreg [dreg:$0x8];
	s0 =	spop (v2sf)  }
0x6d: {  	v0 =	vmov s15;
	s16 =	smul.f32 s20, s16;
	s15 =	spop (v2sf)  }
0x6e: {  	v3 =	vmov s25;
	v4 =	vmov s28;
	v1 =	vmov s13;
	s0 =	smul.f32 s20, s0;
	s13 =	spop (v2sf)  }
0x6f: {  	v5 =	vmov s30;
	v6 =	vmov s21;
	v2 =	vmov s23;
	s15 =	smul.f32 s20, s15;
	s23 =	spop (v2sf)  }
0x70: {  	v7 =	vmov s1;
	v8 =	vmov s8;
	v9 =	vmov s9;
	s25 =	spop (v2sf);
	s28 =	smul.f32 s23, s13  }
0x71: {  	v10 =	vmov s24;
	v11 =	vmov s26;
	v12 =	vmov s31;
	s26 =	spop (v2sf);
	s1 =	smul.f32 s23, s25  }
.Ltmp2:
0x72: {  	v13 =	vmov s2;
	v14 =	vmov s11;
	v15 =	vmov s22;
	s30 =	spop (v2sf);
	(pc) =	sbr.rel .LBB2_2-.Ltmp2, $4  }
0x73: {  	v16 =	vmov s29;
	v17 =	vmov s18;
	v18 =	vmov s19;
	s8 =	smul.f32 s30, s26;
	s31 =	spop (v2sf)  }
0x74: {  	v19 =	vmov s12;
	v20 =	vmov s10;
	v21 =	vmov s16;
	s2 =	smul.f32 s30, s31  }
0x75: {  	s9 =	simm.s32 $0x9600;
	s11 =	simm.s32 $0x4600;
	v22 =	vmov s0;
	v23 =	vmov s15;
	v24 =	vmov s28  }
0x76: {  	s10 =	simm.s32 $0x1E00;
	s23 =	simm.s32 $0x0;
	v25 =	vmov s1;
	v26 =	vmov s8;
	s8 =	simm.s32 $0x6E00;
	v27 =	vmov s2  }
.LBB2_9:
0x77: {  	p2 =	sne.s32 s21, s7  }
.Ltmp3:
0x78: {  	_ = 	snop;
	(pc) =	sbr.rel @!p2 .LBB2_10-.Ltmp3, $2  }
0x79: {  	_ =	sdelay $0x2  }
0x7a: {  	s23 =	smov.u32 s21  }
.LBB2_2:
0x7b: {  	s24 =	sand.u32 $0x1, s23  }
0x7c: {  	p2 =	seq.s32 s24, $0x1  }
.Ltmp4:
0x7d: {  	_ = 	snop;
	(pc) =	sbr.rel @p2 .LBB2_6-.Ltmp4, $3  }
0x7e: {  	_ =	sdelay $0x1  }
0x7f: {  	s0 =	sshll.u32 s23, $0x5  }
0x80: {  	s22 =	sor.u32 s5, s0  }
0x81: {  	s21 =	sor.u32 $0x1, s23  }
0x82: {  	p2 =	sge.u32 s21, s7  }
0x83: {  	s0 =	sshll.u32 @!p2 s21, $0x5  }
0x84: {  	_ =	swait.ge [sflag:s17], $0xF00;
	s0 =	sor.u32 @!p2 s5, s0  }
0x85: {  	[sflag:s17] =	ssyncset.done $0x0;
	s0 =	smul.u32 @!p2 $0x1E0, s0  }
0x86: {  	[sflag:s17] =	ssyncadd.s32 $0xFFFFF100  }
0x87: {  	s1 =	simm.s32 @!p2 $0x0;
	s2 =	simm.s32 @!p2 $0xF00;
	s0 =	sadd.s32 @!p2 s6, s0  }
0x88: {  	[tilespmem:s2], [sflag:$0x2] =	stream.linear.gather @!p2 [hbm4b:s0+s1], $0xF00, $0x38;
	[tilespmem:$0xBF00] =	vst v63  }
0x89: {  	p2 =	slt.u32 s23, $0x2  }
0x8a: {  	s0 =	simm.s32 @!p2 $0x3  }
0x8b: {  	_ =	swait.ge @!p2 [sflag:s0], $0x2800  }
0x8c: {  	s26 =	simm.s32 $0x0;
	[sflag:s0] =	ssyncset.done @!p2 $0x0  }
0x8d: {  	s1 =	smul.u32 $0x600, s26;
	[sflag:s0] =	ssyncadd.s32 @!p2 $0xFFFFD800  }
0x8e: {  	s25 =	simm.s32 $0x0;
	_ =	swait.ge @!p2 [sflag:s0], $0x2800  }
0x8f: {  	s29 =	sand.u32 $0x70, s25;
	s1 =	sshra.s32 s1, $0x2;
	[sflag:s0] =	ssyncset.done @!p2 $0x0  }
0x90: {  	s30 =	sor.u32 s29, s1;
	[sflag:s0] =	ssyncadd.s32 @!p2 $0xFFFFD800  }
0x91: {  	v30 =	vld [tilespmem:s30+$0x0]  }
0x92: {  	v33 =	vld [tilespmem:s30+$0x80]  }
0x93: {  	v28 =	vld [tilespmem:s30+$0x100];
	_ =	sdelay $0x2  }
0x94: {  	v34 =	vmul.f32 v30, v30;
	v39 =	vmul.f32 v30, v22  }
0x95: {  	v32 =	vmul.f32 v33, v30;
	v40 =	vmul.f32 v30, v4  }
0x96: {  	v41 =	vmul.f32 v28, v3;
	v37 =	vmul.f32 v28, v30  }
0x97: {  	v43 =	vmul.f32 v28, v19;
	(erf) = vrcp.f32 v34  }
0x98: {  	v58 =	vmul.f32 v33, v33;
	v48 =	vmul.f32 v28, v28  }
0x99: {  	v35 =	vmul.f32 v32, v16;
	v42 =	vmul.f32 v28, v32  }
0x9a: {  	v36 =	vmul.f32 v37, v28;
	v29 =	vmul.f32 v34, v10  }
0x9b: {  	v38 =	vmul.f32 v32, v34;
	v44 =	vmul.f32 v32, v2  }
0x9c: {  	v31 =	vmul.f32 v32, v30;
	v46 =	vmul.f32 v28, v34  }
0x9d: {  	v47 =	vmul.f32 v37, v9;
	v37 =	vmul.f32 v32, v32  }
0x9e: {  	v51 =	vmul.f32 v48, v28;
	v48 =	vmul.f32 v48, v7  }
0x9f: {  	v45 =	vmul.f32 v36, v21;
	v36 =	vmul.f32 v34, v30  }
0xa0: {  	s31 =	simm.s32 $0x0;
	v34 =	vmul.f32 v38, v12;
	v33 =	vmul.f32 v46, v24;
	v59 =	vpop (erf)  }
0xa1: {  	s26 =	sor.u32 s29, s31;
	v49 =	vmul.f32 v42, v6;
	v46 =	vmul.f32 v59, v58  }
0xa2: {  	[tilespmem:s26+$0x1E00] =	vst v0;
	v50 =	vmul.f32 v31, v28;
	v51 =	vmul.f32 v51, v18  }
0xa3: {  	[tilespmem:s26+$0x1F00] =	vst v41;
	v61 =	vmul.f32 v42, v28;
	v60 =	vmul.f32 v46, v30  }
0xa4: {  	[tilespmem:s26+$0x1F80] =	vst v40;
	v41 =	vmul.f32 v50, v14;
	v52 =	vmul.f32 v46, v32  }
0xa5: {  	[tilespmem:s26+$0x1E80] =	vst v44;
	v45 =	vadd.f32 v45, v39;
	v62 =	vmul.f32 v46, v8;
	v63 =	vmul.f32 v60, v23  }
0xa6: {  	[tilespmem:s26+$0x2180] =	vst v47;
	v44 =	vmul.f32 v61, v15;
	v39 =	vadd.f32 v51, v43;
	v38 =	vmul.f32 v46, v28  }
0xa7: {  	s28 =	simm.s32 $0x1;
	[tilespmem:s26+$0x2080] =	vst v49;
	v42 =	vadd.f32 v62, v48;
	v40 =	vmul.f32 v52, v17;
	v43 =	vadd.f32 v45, v63  }
.LBB2_4:
0xa8: {  	p2 =	sne.s32 s28, $0x4F  }
0xa9: {  	v32 =	vmul.f32 v37, v32;
	v30 =	vmul.f32 v37, v30;
	v35 =	vadd.f32 v44, v35;
	[tilespmem:s26+$0x4700] =	vst v41;
	s25 =	sadd.s32 $0x10, s25;
	s0 =	smov.u32 s28;
	s28 =	sadd.s32 $0x1, s28  }
0xaa: {  	v28 =	vmul.f32 v37, v28;
	v38 =	vmul.f32 v38, v20;
	v41 =	vadd.f32 v42, v1;
	[tilespmem:s26+$0x4880] =	vst v43  }
0xab: {  	v32 =	vmul.f32 v32, v13;
	v35 =	vadd.f32 v35, v40;
	v30 =	vmul.f32 v30, v27  }
0xac: {  	v36 =	vmul.f32 v36, v26;
	v38 =	vadd.f32 v39, v38;
	v28 =	vmul.f32 v28, v25;
	[tilespmem:s26+$0x2100] =	vst v41  }
0xad: {  	v31 =	vmul.f32 v31, v5;
	v37 =	vmul.f32 v37, v11;
	v32 =	vadd.f32 v32, v34;
	[tilespmem:s26+$0x4780] =	vst v35  }
0xae: {  	v28 =	vadd.f32 v28, v33;
	v30 =	vadd.f32 v30, v36;
	[tilespmem:s26+$0x4800] =	vst v38  }
0xaf: {  	s0 =	sshrl.u32 s0, $0x3;
	v29 =	vadd.f32 v37, v29;
	[tilespmem:s26+$0x4680] =	vst v32  }
0xb0: {  	s1 =	smul.u32 $0x600, s0;
	[tilespmem:s26+$0x4980] =	vst v30  }
0xb1: {  	[tilespmem:s26+$0x4600] =	vst v29  }
0xb2: {  	s2 =	sand.u32 $0x70, s25;
	s1 =	sshra.s32 s1, $0x2;
	[tilespmem:s26+$0x2000] =	vst v31  }
0xb3: {  	s1 =	sor.u32 s2, s1;
	[tilespmem:s26+$0x4900] =	vst v28  }
0xb4: {  	v30 =	vld [tilespmem:s1+$0x0]  }
0xb5: {  	v33 =	vld [tilespmem:s1+$0x80]  }
0xb6: {  	v28 =	vld [tilespmem:s1+$0x100];
	_ =	sdelay $0x2  }
0xb7: {  	v34 =	vmul.f32 v30, v30;
	v39 =	vmul.f32 v30, v22  }
0xb8: {  	v38 =	vmul.f32 v30, v4;
	v32 =	vmul.f32 v33, v30  }
0xb9: {  	v40 =	vmul.f32 v28, v3;
	(erf) = vrcp.f32 v34  }
0xba: {  	v37 =	vmul.f32 v28, v30;
	v35 =	vmul.f32 v32, v16  }
0xbb: {  	v42 =	vmul.f32 v28, v19;
	v41 =	vmul.f32 v28, v32  }
0xbc: {  	v29 =	vmul.f32 v34, v10;
	v36 =	vmul.f32 v37, v28  }
0xbd: {  	s0 =	sshll.u32 s0, $0xA;
	v43 =	vmul.f32 v32, v34;
	v44 =	vmul.f32 v32, v2  }
0xbe: {  	s26 =	sor.u32 s2, s0;
	v31 =	vmul.f32 v32, v30;
	v45 =	vmul.f32 v36, v21  }
0xbf: {  	v46 =	vmul.f32 v28, v34;
	v36 =	vmul.f32 v34, v30;
	[tilespmem:s26+$0x1E00] =	vst v0  }
0xc0: {  	v47 =	vmul.f32 v37, v9;
	v34 =	vmul.f32 v43, v12  }
0xc1: {  	v48 =	vmul.f32 v28, v28;
	v43 =	vmul.f32 v33, v33;
	[tilespmem:s26+$0x1E80] =	vst v44  }
0xc2: {  	v37 =	vmul.f32 v32, v32;
	v33 =	vmul.f32 v46, v24;
	[tilespmem:s26+$0x1F00] =	vst v40;
	v40 =	vpop (erf)  }
0xc3: {  	v40 =	vmul.f32 v40, v43;
	v43 =	vmul.f32 v41, v6;
	[tilespmem:s26+$0x1F80] =	vst v38  }
0xc4: {  	v46 =	vmul.f32 v48, v28;
	v44 =	vmul.f32 v31, v28;
	[tilespmem:s26+$0x2180] =	vst v47  }
0xc5: {  	v47 =	vmul.f32 v48, v7;
	v38 =	vmul.f32 v40, v28;
	[tilespmem:s26+$0x2080] =	vst v43  }
.Ltmp5:
0xc6: {  	v46 =	vmul.f32 v46, v18;
	v43 =	vmul.f32 v40, v30;
	(pc) =	sbr.rel @p2 .LBB2_4-.Ltmp5, $4  }
0xc7: {  	v48 =	vmul.f32 v41, v28;
	v49 =	vmul.f32 v40, v32  }
0xc8: {  	v45 =	vadd.f32 v45, v39;
	v40 =	vmul.f32 v40, v8;
	v43 =	vmul.f32 v43, v23  }
0xc9: {  	v39 =	vadd.f32 v46, v42;
	v41 =	vmul.f32 v44, v14;
	v44 =	vmul.f32 v48, v15  }
0xca: {  	v42 =	vadd.f32 v40, v47;
	v40 =	vmul.f32 v49, v17;
	v43 =	vadd.f32 v45, v43  }
0xcb: {  	v35 =	vadd.f32 v44, v35;
	[tilespmem:s26+$0x4700] =	vst v41;
	v31 =	vmul.f32 v31, v5  }
0xcc: {  	v32 =	vmul.f32 v37, v32;
	v38 =	vmul.f32 v38, v20;
	v62 =	vadd.f32 v42, v1;
	[tilespmem:s26+$0x4880] =	vst v43  }
0xcd: {  	v30 =	vmul.f32 v37, v30;
	v63 =	vmul.f32 v37, v11;
	v35 =	vadd.f32 v35, v40;
	[tilespmem:s26+$0x2000] =	vst v31  }
0xce: {  	v28 =	vmul.f32 v37, v28;
	v32 =	vmul.f32 v32, v13;
	v38 =	vadd.f32 v39, v38;
	[tilespmem:s26+$0x2100] =	vst v62  }
0xcf: {  	v36 =	vmul.f32 v36, v26;
	v30 =	vmul.f32 v30, v27;
	v29 =	vadd.f32 v63, v29;
	[tilespmem:s26+$0x4780] =	vst v35  }
0xd0: {  	v28 =	vmul.f32 v28, v25;
	v32 =	vadd.f32 v32, v34;
	[tilespmem:s26+$0x4800] =	vst v38  }
0xd1: {  	s0 =	smul.u32 $0x2800, s22;
	v30 =	vadd.f32 v30, v36;
	[tilespmem:s26+$0x4600] =	vst v29  }
0xd2: {  	p2 =	seq.s32 s24, $0x0;
	v28 =	vadd.f32 v28, v33;
	[tilespmem:s26+$0x4680] =	vst v32  }
.Ltmp6:
0xd3: {  	s1 =	sshrl.u32 s0, $0x3;
	s0 =	sadd.s32 $0xC35000, s0;
	[tilespmem:s26+$0x4980] =	vst v30;
	(pc) =	sbr.rel @p2 .LBB2_9-.Ltmp6, $4  }
0xd4: {  	s1 =	sadd.s32 s3, s1;
	s0 =	sshrl.u32 s0, $0x3;
	[tilespmem:s26+$0x4900] =	vst v28  }
0xd5: {  	[hbm4b:s1+s4] =	stream.linear.scatter [tilespmem:s10], [sflag:$0x3], $0x2800, $0x38;
	[tilespmem:$0xBF00] =	vst v63  }
0xd6: {  	s0 =	sadd.s32 s3, s0  }
0xd7: {  	[hbm4b:s0+s4] =	stream.linear.scatter [tilespmem:s11], [sflag:$0x3], $0x2800, $0x38;
	[tilespmem:$0xBF00] =	vst v63  }
.LBB2_6:
0xd8: {  	s21 =	sadd.s32 $0x1, s23  }
0xd9: {  	p2 =	sge.u32 s21, s7  }
0xda: {  	s0 =	sshll.u32 @!p2 s21, $0x5  }
0xdb: {  	s0 =	sor.u32 @!p2 s5, s0  }
0xdc: {  	_ =	swait.ge [sflag:s14], $0xF00;
	s0 =	smul.u32 @!p2 $0x1E0, s0  }
0xdd: {  	[sflag:s14] =	ssyncset.done $0x0  }
0xde: {  	[sflag:s14] =	ssyncadd.s32 $0xFFFFF100;
	s1 =	simm.s32 @!p2 $0x0;
	s0 =	sadd.s32 @!p2 s6, s0  }
0xdf: {  	[tilespmem:s1], [sflag:$0x1] =	stream.linear.gather @!p2 [hbm4b:s0+s1], $0xF00, $0x38;
	[tilespmem:$0xBF00] =	vst v63  }
0xe0: {  	p2 =	slt.u32 s23, $0x2  }
0xe1: {  	s0 =	simm.s32 @!p2 $0x4  }
0xe2: {  	_ =	swait.ge @!p2 [sflag:s0], $0x2800  }
0xe3: {  	s29 =	simm.s32 $0x0;
	[sflag:s0] =	ssyncset.done @!p2 $0x0  }
0xe4: {  	s1 =	smul.u32 $0x600, s29;
	[sflag:s0] =	ssyncadd.s32 @!p2 $0xFFFFD800  }
0xe5: {  	s23 =	simm.s32 $0x0;
	_ =	swait.ge @!p2 [sflag:s0], $0x2800  }
0xe6: {  	s2 =	sand.u32 $0x70, s23;
	s1 =	sshra.s32 s1, $0x2;
	[sflag:s0] =	ssyncset.done @!p2 $0x0  }
0xe7: {  	s30 =	sor.u32 s2, s1;
	[sflag:s0] =	ssyncadd.s32 @!p2 $0xFFFFD800  }
0xe8: {  	v30 =	vld [tilespmem:s30+$0xF00]  }
0xe9: {  	v33 =	vld [tilespmem:s30+$0xF80]  }
0xea: {  	v28 =	vld [tilespmem:s30+$0x1000];
	_ =	sdelay $0x2  }
0xeb: {  	v34 =	vmul.f32 v30, v30;
	v39 =	vmul.f32 v30, v22  }
0xec: {  	v32 =	vmul.f32 v33, v30;
	v40 =	vmul.f32 v30, v4  }
0xed: {  	v41 =	vmul.f32 v28, v3;
	v37 =	vmul.f32 v28, v30  }
0xee: {  	v43 =	vmul.f32 v28, v19;
	(erf) = vrcp.f32 v34  }
0xef: {  	v58 =	vmul.f32 v33, v33;
	v48 =	vmul.f32 v28, v28  }
0xf0: {  	v35 =	vmul.f32 v32, v16;
	v42 =	vmul.f32 v28, v32  }
0xf1: {  	v36 =	vmul.f32 v37, v28;
	v29 =	vmul.f32 v34, v10  }
0xf2: {  	v38 =	vmul.f32 v32, v34;
	v44 =	vmul.f32 v32, v2  }
0xf3: {  	v31 =	vmul.f32 v32, v30;
	v46 =	vmul.f32 v28, v34  }
0xf4: {  	v47 =	vmul.f32 v37, v9;
	v37 =	vmul.f32 v32, v32  }
0xf5: {  	v51 =	vmul.f32 v48, v28;
	v48 =	vmul.f32 v48, v7  }
0xf6: {  	v45 =	vmul.f32 v36, v21;
	v36 =	vmul.f32 v34, v30  }
0xf7: {  	s31 =	simm.s32 $0x0;
	v34 =	vmul.f32 v38, v12;
	v33 =	vmul.f32 v46, v24;
	v59 =	vpop (erf)  }
0xf8: {  	s24 =	sor.u32 s2, s31;
	v49 =	vmul.f32 v42, v6;
	v46 =	vmul.f32 v59, v58  }
0xf9: {  	[tilespmem:s24+$0x6E00] =	vst v0;
	v50 =	vmul.f32 v31, v28;
	v51 =	vmul.f32 v51, v18  }
0xfa: {  	[tilespmem:s24+$0x6F00] =	vst v41;
	v61 =	vmul.f32 v42, v28;
	v60 =	vmul.f32 v46, v30  }
0xfb: {  	[tilespmem:s24+$0x6F80] =	vst v40;
	v41 =	vmul.f32 v50, v14;
	v52 =	vmul.f32 v46, v32  }
0xfc: {  	[tilespmem:s24+$0x6E80] =	vst v44;
	v45 =	vadd.f32 v45, v39;
	v62 =	vmul.f32 v46, v8;
	v63 =	vmul.f32 v60, v23  }
0xfd: {  	[tilespmem:s24+$0x7180] =	vst v47;
	v44 =	vmul.f32 v61, v15;
	v39 =	vadd.f32 v51, v43;
	v38 =	vmul.f32 v46, v28  }
0xfe: {  	s25 =	simm.s32 $0x1;
	[tilespmem:s24+$0x7080] =	vst v49;
	v42 =	vadd.f32 v62, v48;
	v40 =	vmul.f32 v52, v17;
	v43 =	vadd.f32 v45, v63  }
.LBB2_7:
0xff: {  	p2 =	sne.s32 s25, $0x4F  }
0x100: {  	v32 =	vmul.f32 v37, v32;
	v30 =	vmul.f32 v37, v30;
	v35 =	vadd.f32 v44, v35;
	[tilespmem:s24+$0x9700] =	vst v41;
	s23 =	sadd.s32 $0x10, s23;
	s0 =	smov.u32 s25;
	s25 =	sadd.s32 $0x1, s25  }
0x101: {  	v28 =	vmul.f32 v37, v28;
	v38 =	vmul.f32 v38, v20;
	v41 =	vadd.f32 v42, v1;
	[tilespmem:s24+$0x9880] =	vst v43  }
0x102: {  	v32 =	vmul.f32 v32, v13;
	v35 =	vadd.f32 v35, v40;
	v30 =	vmul.f32 v30, v27  }
0x103: {  	v36 =	vmul.f32 v36, v26;
	v38 =	vadd.f32 v39, v38;
	v28 =	vmul.f32 v28, v25;
	[tilespmem:s24+$0x7100] =	vst v41  }
0x104: {  	v31 =	vmul.f32 v31, v5;
	v37 =	vmul.f32 v37, v11;
	v32 =	vadd.f32 v32, v34;
	[tilespmem:s24+$0x9780] =	vst v35  }
0x105: {  	v28 =	vadd.f32 v28, v33;
	v30 =	vadd.f32 v30, v36;
	[tilespmem:s24+$0x9800] =	vst v38  }
0x106: {  	s0 =	sshrl.u32 s0, $0x3;
	v29 =	vadd.f32 v37, v29;
	[tilespmem:s24+$0x9680] =	vst v32  }
0x107: {  	s1 =	smul.u32 $0x600, s0;
	[tilespmem:s24+$0x9980] =	vst v30  }
0x108: {  	[tilespmem:s24+$0x9600] =	vst v29  }
0x109: {  	s2 =	sand.u32 $0x70, s23;
	s1 =	sshra.s32 s1, $0x2;
	[tilespmem:s24+$0x7000] =	vst v31  }
0x10a: {  	s1 =	sor.u32 s2, s1;
	[tilespmem:s24+$0x9900] =	vst v28  }
0x10b: {  	v30 =	vld [tilespmem:s1+$0xF00]  }
0x10c: {  	v33 =	vld [tilespmem:s1+$0xF80]  }
0x10d: {  	v28 =	vld [tilespmem:s1+$0x1000];
	_ =	sdelay $0x2  }
0x10e: {  	v34 =	vmul.f32 v30, v30;
	v39 =	vmul.f32 v30, v22  }
0x10f: {  	v38 =	vmul.f32 v30, v4;
	v32 =	vmul.f32 v33, v30  }
0x110: {  	v40 =	vmul.f32 v28, v3;
	(erf) = vrcp.f32 v34  }
0x111: {  	v37 =	vmul.f32 v28, v30;
	v35 =	vmul.f32 v32, v16  }
0x112: {  	v42 =	vmul.f32 v28, v19;
	v41 =	vmul.f32 v28, v32  }
0x113: {  	v29 =	vmul.f32 v34, v10;
	v36 =	vmul.f32 v37, v28  }
0x114: {  	s0 =	sshll.u32 s0, $0xA;
	v43 =	vmul.f32 v32, v34;
	v44 =	vmul.f32 v32, v2  }
0x115: {  	s24 =	sor.u32 s2, s0;
	v31 =	vmul.f32 v32, v30;
	v45 =	vmul.f32 v36, v21  }
0x116: {  	v46 =	vmul.f32 v28, v34;
	v36 =	vmul.f32 v34, v30;
	[tilespmem:s24+$0x6E00] =	vst v0  }
0x117: {  	v47 =	vmul.f32 v37, v9;
	v34 =	vmul.f32 v43, v12  }
0x118: {  	v48 =	vmul.f32 v28, v28;
	v43 =	vmul.f32 v33, v33;
	[tilespmem:s24+$0x6E80] =	vst v44  }
0x119: {  	v37 =	vmul.f32 v32, v32;
	v33 =	vmul.f32 v46, v24;
	[tilespmem:s24+$0x6F00] =	vst v40;
	v40 =	vpop (erf)  }
0x11a: {  	v40 =	vmul.f32 v40, v43;
	v43 =	vmul.f32 v41, v6;
	[tilespmem:s24+$0x6F80] =	vst v38  }
0x11b: {  	v46 =	vmul.f32 v48, v28;
	v44 =	vmul.f32 v31, v28;
	[tilespmem:s24+$0x7180] =	vst v47  }
0x11c: {  	v47 =	vmul.f32 v48, v7;
	v38 =	vmul.f32 v40, v28;
	[tilespmem:s24+$0x7080] =	vst v43  }
.Ltmp7:
0x11d: {  	v46 =	vmul.f32 v46, v18;
	v43 =	vmul.f32 v40, v30;
	(pc) =	sbr.rel @p2 .LBB2_7-.Ltmp7, $4  }
0x11e: {  	v48 =	vmul.f32 v41, v28;
	v49 =	vmul.f32 v40, v32  }
0x11f: {  	v45 =	vadd.f32 v45, v39;
	v40 =	vmul.f32 v40, v8;
	v43 =	vmul.f32 v43, v23  }
0x120: {  	v39 =	vadd.f32 v46, v42;
	v41 =	vmul.f32 v44, v14;
	v44 =	vmul.f32 v48, v15  }
0x121: {  	v42 =	vadd.f32 v40, v47;
	v40 =	vmul.f32 v49, v17;
	v43 =	vadd.f32 v45, v43  }
0x122: {  	v35 =	vadd.f32 v44, v35;
	[tilespmem:s24+$0x9700] =	vst v41;
	v31 =	vmul.f32 v31, v5  }
0x123: {  	v32 =	vmul.f32 v37, v32;
	v38 =	vmul.f32 v38, v20;
	v62 =	vadd.f32 v42, v1;
	[tilespmem:s24+$0x9880] =	vst v43  }
0x124: {  	v30 =	vmul.f32 v37, v30;
	v63 =	vmul.f32 v37, v11;
	v35 =	vadd.f32 v35, v40;
	[tilespmem:s24+$0x7000] =	vst v31  }
0x125: {  	v28 =	vmul.f32 v37, v28;
	v32 =	vmul.f32 v32, v13;
	v38 =	vadd.f32 v39, v38;
	[tilespmem:s24+$0x7100] =	vst v62  }
0x126: {  	v36 =	vmul.f32 v36, v26;
	v30 =	vmul.f32 v30, v27;
	v29 =	vadd.f32 v63, v29;
	[tilespmem:s24+$0x9780] =	vst v35  }
0x127: {  	v28 =	vmul.f32 v28, v25;
	v32 =	vadd.f32 v32, v34;
	[tilespmem:s24+$0x9800] =	vst v38  }
0x128: {  	s0 =	smul.u32 $0x2800, s22;
	v30 =	vadd.f32 v30, v36;
	[tilespmem:s24+$0x9600] =	vst v29  }
0x129: {  	v28 =	vadd.f32 v28, v33;
	[tilespmem:s24+$0x9680] =	vst v32  }
.Ltmp8:
0x12a: {  	s1 =	sshrl.u32 s0, $0x3;
	s0 =	sadd.s32 $0xC35000, s0;
	[tilespmem:s24+$0x9980] =	vst v30;
	(pc) =	sbr.rel .LBB2_9-.Ltmp8, $4  }
0x12b: {  	s1 =	sadd.s32 s3, s1;
	s0 =	sshrl.u32 s0, $0x3;
	[tilespmem:s24+$0x9900] =	vst v28  }
0x12c: {  	[hbm4b:s1+s4] =	stream.linear.scatter [tilespmem:s8], [sflag:$0x4], $0x2800, $0x38;
	[tilespmem:$0xBF00] =	vst v63  }
0x12d: {  	s0 =	sadd.s32 s3, s0  }
0x12e: {  	[hbm4b:s0+s4] =	stream.linear.scatter [tilespmem:s9], [sflag:$0x4], $0x2800, $0x38;
	[tilespmem:$0xBF00] =	vst v63  }
.LBB2_11:
0x12f: {  	_ =	sfence.sel $0x180000  }
0x130: {  	[bflag:$0x0] =	sbarrier.arrive $0xFFFF  }
0x131: {  	_ =	strace $0x90000047  }
0x132: {  	s0 =	stileid.u32;
	[bflag:$0x2] =	sbarrier.arrive $0xFFFF  }
0x133: {  	p0 =	sne.s32 s0, $0x0;
	s0 =	rddreg [dreg:$0x3]  }
0x134: {  	s0 =	sadd.s32 @!p0 $0x100000, s0  }
0x135: {  	[sflag:s0] =	ssyncadd.tile.s32 @!p0 $0x1;
	_ =	shalt  }
.Lfunc_end2:
_tile_overlayer_lowered:
.L_overlay_start_2:
0x136: {  	(tag) =	ssettag $0x2  }
0x137: {  	s0 =	rddreg [dreg:$0x0];
	s2 =	stileid.u32  }
0x138: {  	s1 =	rddreg [dreg:$0x1];
	p0 =	sne.s32 s2, $0x0  }
0x139: {  	s3 =	rddreg [dreg:$0x2];
	[bflag:$0x3] =	sbarrier.arrive $0xFFFF;
	s2 =	simm.s32 @!p0 $0x1C05  }
0x13a: {  	[timem:s3], [sflag:s2] =	dma.local @!p0 [hbm:s0], s1  }
0x13b: {  	s0 =	simm.s32 @!p0 $0x5  }
0x13c: {  	_ =	swait.ge @!p0 [sflag:s0], s1  }
0x13d: {  	s1 =	ssub.s32 @!p0 $0x0, s1;
	[sflag:s0] =	ssyncset.done @!p0 $0x0  }
0x13e: {  	[sflag:s0] =	ssyncadd.s32 @!p0 s1  }
0x13f: {  	[bflag:$0x3] =	sbarrier.arrive $0xFFFF  }
0x140: {  	_ =	shalt  }

</sc_bundles>
